<compile_context>
chip_gen: v7x
topology: tpu7x:2x2x1
jax: 0.10.2.dev20260603
libtpu: 0.0.44.dev20260713+nightly
codegen_flags: <defaults>
</compile_context>

<pallas_src>
import jax
import jax.numpy as jnp
from jax import lax
from jax.experimental import pallas as pl
from jax.experimental.pallas import tpu as pltpu
from jax.experimental.pallas import tpu_sc as plsc



def _router_body(x_ref, gw_ref, wab_ref, i12_ref):
    x = x_ref[...].astype(jnp.bfloat16)
    gw = gw_ref[...].astype(jnp.bfloat16)
    logits = lax.dot_general(
        x, gw, (((1,), (1,)), ((), ())),
        preferred_element_type=jnp.float32)
    E = logits.shape[1]
    eidx = lax.broadcasted_iota(jnp.int32, logits.shape, 1)
    m1 = jnp.max(logits, axis=1, keepdims=True)
    i1 = jnp.min(jnp.where(logits == m1, eidx, E), axis=1, keepdims=True)
    neg = jnp.float32(jnp.finfo(jnp.float32).min)
    masked = jnp.where(eidx == i1, neg, logits)
    m2 = jnp.max(masked, axis=1, keepdims=True)
    i2 = jnp.min(jnp.where(masked == m2, eidx, E), axis=1, keepdims=True)
    wa = jax.nn.sigmoid(m1 - m2)
    wb = jax.nn.sigmoid(m2 - m1)
    wab_ref[...] = jnp.concatenate([wa, wb], axis=1)
    i12_ref[...] = jnp.concatenate([i1, i2], axis=1)



def _make_scan_body(E, RB, NBLK, TK, NT, TMG):
    def body(e_ref, p_ref, posi_ref, te_ref, carry_ref):
        b = pl.program_id(0)

        @pl.when(b == 0)
        def _init():
            carry_ref[...] = jnp.zeros_like(carry_ref)

        @pl.when(b < NBLK)
        def _scan_step():
            ef = e_ref[pl.ds(b * RB, RB), :]
            lane = lax.broadcasted_iota(jnp.int32, (RB, E), 1)
            C = (ef == lane).astype(jnp.float32)
            r = lax.broadcasted_iota(jnp.int32, (RB, RB), 0)
            c = lax.broadcasted_iota(jnp.int32, (RB, RB), 1)
            tril = (r > c).astype(jnp.float32)
            ranks = lax.dot_general(
                tril, C, (((1,), (0,)), ((), ())),
                preferred_element_type=jnp.float32)
            p_ref[pl.ds(b * RB, RB), :] = ranks + carry_ref[...]
            carry_ref[...] += jnp.sum(C, axis=0, keepdims=True)

        @pl.when(b == NBLK)
        def _finalize():
            counts = carry_ref[...]
            tiles = jnp.floor((counts + (TMG - 1)) / TMG)
            r8 = lax.broadcasted_iota(jnp.int32, (E, E), 0)
            c8 = lax.broadcasted_iota(jnp.int32, (E, E), 1)
            upper = (r8 < c8).astype(jnp.float32)
            cumt = lax.dot_general(
                tiles, upper, (((1,), (0,)), ((), ())),
                preferred_element_type=jnp.float32)
            padded_off = cumt * TMG
            ef = e_ref[...]
            lane = lax.broadcasted_iota(jnp.int32, (TK, E), 1)
            C = (ef == lane).astype(jnp.float32)
            base = lax.dot_general(
                C, padded_off, (((1,), (1,)), ((), ())),
                preferred_element_type=jnp.float32)
            rank = jnp.sum(p_ref[...] * C, axis=1, keepdims=True)
            posi_ref[...] = (base + rank).astype(jnp.int32)
            jrow = lax.broadcasted_iota(jnp.int32, (NT, E), 0).astype(jnp.float32)
            te = jnp.sum((jrow >= cumt).astype(jnp.float32), axis=1,
                         keepdims=True) - 1.0
            te_ref[...] = te.astype(jnp.int32)
    return body



def _sc_dispatch(x_flat, pos1, pos2, NP):
    T, H = x_flat.shape
    info = plsc.get_sparse_core_info()
    NW = info.num_cores * info.num_subcores
    chunk = T // NW
    mesh = plsc.VectorSubcoreMesh(core_axis_name="c", subcore_axis_name="s")

    def body(x_hbm, p1_hbm, p2_hbm, xs_hbm, xbuf, idx1, idx2, sem):
        wid = lax.axis_index("s") * info.num_cores + lax.axis_index("c")
        base = wid * chunk
        pltpu.sync_copy(x_hbm.at[pl.ds(base, chunk)], xbuf)
        pltpu.sync_copy(p1_hbm.at[pl.ds(base, chunk)], idx1)
        pltpu.sync_copy(p2_hbm.at[pl.ds(base, chunk)], idx2)
        pltpu.async_copy(xbuf, xs_hbm.at[idx1], sem).wait()
        pltpu.async_copy(xbuf, xs_hbm.at[idx2], sem).wait()

    return pl.kernel(
        body,
        out_type=jax.ShapeDtypeStruct((NP, H), jnp.float32),
        mesh=mesh,
        scratch_types=[
            pltpu.VMEM((chunk, H), jnp.float32),
            pltpu.VMEM((chunk,), jnp.int32),
            pltpu.VMEM((chunk,), jnp.int32),
            pltpu.SemaphoreType.DMA,
        ],
    )(x_flat, pos1, pos2)


def _sc_return(y_sorted, pos1, pos2):
    NP, H = y_sorted.shape
    T = pos1.shape[0]
    info = plsc.get_sparse_core_info()
    NW = info.num_cores * info.num_subcores
    chunk = T // NW
    mesh = plsc.VectorSubcoreMesh(core_axis_name="c", subcore_axis_name="s")

    def body(y_hbm, p1_hbm, p2_hbm, z_hbm, buf, idx, sem):
        wid = lax.axis_index("s") * info.num_cores + lax.axis_index("c")
        base = wid * chunk
        pltpu.sync_copy(p1_hbm.at[pl.ds(base, chunk)], idx)
        pltpu.async_copy(y_hbm.at[idx], buf, sem).wait()
        pltpu.sync_copy(buf, z_hbm.at[0, pl.ds(base, chunk)])
        pltpu.sync_copy(p2_hbm.at[pl.ds(base, chunk)], idx)
        pltpu.async_copy(y_hbm.at[idx], buf, sem).wait()
        pltpu.sync_copy(buf, z_hbm.at[1, pl.ds(base, chunk)])

    return pl.kernel(
        body,
        out_type=jax.ShapeDtypeStruct((2, T, H), jnp.float32),
        mesh=mesh,
        scratch_types=[
            pltpu.VMEM((chunk, H), jnp.float32),
            pltpu.VMEM((chunk,), jnp.int32),
            pltpu.SemaphoreType.DMA,
        ],
    )(y_sorted, pos1, pos2)



def _make_ffn_body(TMG):
    def body(te_ref, xs_ref, w1_ref, w2_ref, out_ref):
        f = pl.program_id(0)
        t = pl.program_id(1)
        rows = pl.ds(t * TMG, TMG)
        x = xs_ref[rows, :].astype(jnp.bfloat16)
        w1b = w1_ref[0].astype(jnp.bfloat16)
        h = lax.dot_general(
            x, w1b, (((1,), (1,)), ((), ())),
            preferred_element_type=jnp.float32)
        h = h * jax.nn.sigmoid(h)
        hb = h.astype(jnp.bfloat16)
        w2b = w2_ref[0].astype(jnp.bfloat16)
        y = lax.dot_general(
            hb, w2b, (((1,), (1,)), ((), ())),
            preferred_element_type=jnp.float32)

        @pl.when(f == 0)
        def _set():
            out_ref[rows, :] = y

        @pl.when(f > 0)
        def _acc():
            out_ref[rows, :] += y
    return body



def _combine_body(z_ref, wab_ref, o_ref):
    za = z_ref[0]
    zb = z_ref[1]
    wa = wab_ref[:, 0:1]
    wb = wab_ref[:, 1:2]
    o_ref[...] = za * wa + zb * wb



def kernel(x, gate_w, w1, w2):
    B, S, H = x.shape
    E, F, _ = w1.shape
    T = B * S
    K = 2
    TK = T * K
    TMG = 128 if TK >= 1024 else 16
    NT = TK // TMG + E
    NP = NT * TMG
    x_flat = x.reshape(T, H)

    wab, i12 = pl.pallas_call(
        _router_body,
        grid=(1,),
        in_specs=[
            pl.BlockSpec((T, H), lambda i: (0, 0)),
            pl.BlockSpec((E, H), lambda i: (0, 0)),
        ],
        out_specs=[
            pl.BlockSpec((T, K), lambda i: (0, 0)),
            pl.BlockSpec((T, K), lambda i: (0, 0)),
        ],
        out_shape=[
            jax.ShapeDtypeStruct((T, K), jnp.float32),
            jax.ShapeDtypeStruct((T, K), jnp.int32),
        ],
    )(x_flat, gate_w)

    e_flat = i12.reshape(TK, 1)
    RB = min(512, TK)
    NBLK = TK // RB

    _, posi, te = pl.pallas_call(
        _make_scan_body(E, RB, NBLK, TK, NT, TMG),
        grid=(NBLK + 1,),
        in_specs=[pl.BlockSpec((TK, 1), lambda b: (0, 0))],
        out_specs=[
            pl.BlockSpec((TK, E), lambda b: (0, 0)),
            pl.BlockSpec((TK, 1), lambda b: (0, 0)),
            pl.BlockSpec((NT, 1), lambda b: (0, 0)),
        ],
        out_shape=[
            jax.ShapeDtypeStruct((TK, E), jnp.float32),
            jax.ShapeDtypeStruct((TK, 1), jnp.int32),
            jax.ShapeDtypeStruct((NT, 1), jnp.int32),
        ],
        scratch_shapes=[pltpu.VMEM((1, E), jnp.float32)],
    )(e_flat)

    posi_flat = posi.reshape(TK)
    pos1 = posi_flat[0::2]
    pos2 = posi_flat[1::2]
    te_flat = te.reshape(NT)

    x_sorted = _sc_dispatch(x_flat, pos1, pos2, NP)

    TF = min(512, F)
    grid_spec = pltpu.PrefetchScalarGridSpec(
        num_scalar_prefetch=1,
        grid=(F // TF, NT),
        in_specs=[
            pl.BlockSpec((NP, H), lambda f, t, te_r: (0, 0)),
            pl.BlockSpec((1, TF, H), lambda f, t, te_r: (te_r[t], f, 0)),
            pl.BlockSpec((1, H, TF), lambda f, t, te_r: (te_r[t], 0, f)),
        ],
        out_specs=pl.BlockSpec((NP, H), lambda f, t, te_r: (0, 0)),
    )
    y_sorted = pl.pallas_call(
        _make_ffn_body(TMG),
        grid_spec=grid_spec,
        out_shape=jax.ShapeDtypeStruct((NP, H), jnp.float32),
    )(te_flat, x_sorted, w1, w2)

    z = _sc_return(y_sorted, pos1, pos2)

    BT = min(512, T)
    out = pl.pallas_call(
        _combine_body,
        grid=(T // BT,),
        in_specs=[
            pl.BlockSpec((K, BT, H), lambda i: (0, i, 0)),
            pl.BlockSpec((BT, K), lambda i: (i, 0)),
        ],
        out_specs=pl.BlockSpec((BT, H), lambda i: (i, 0)),
        out_shape=jax.ShapeDtypeStruct((T, H), jnp.float32),
    )(z, wab)

    return out.reshape(B, S, H)

# --- scband reference (transcript-rebuilt; emitter-appended) ---
"""Pipeline reference for scband-mo-elayer-optimized-3719441678904 (READ-ONLY COPY).

The authoritative reference and input builder live on the scoring server;
editing this copy changes nothing except your own understanding.
"""

import jax, jax.numpy as jnp
import numpy as np

TOP_K = 2
NUM_EXPERTS = 8


def setup_inputs(seed: int = 0) -> dict:
    key = jax.random.key(seed)
    ks = jax.random.split(key, 4)
    x = jax.random.normal(ks[0], (1, 2048, 1024), dtype=jnp.float32)
    gate_w = jax.random.normal(ks[1], (8, 1024), dtype=jnp.float32) * 0.02
    w1 = jax.random.normal(ks[2], (8, 4096, 1024), dtype=jnp.float32) * 0.02
    w2 = jax.random.normal(ks[3], (8, 1024, 4096), dtype=jnp.float32) * 0.02
    return {"x": x, "gate_w": gate_w, "w1": w1, "w2": w2}


def reference(x, gate_w, w1, w2):
    B, S, H = x.shape
    E = w1.shape[0]
    K = TOP_K
    x_flat = x.reshape(-1, H)
    T = x_flat.shape[0]
    # Router
    router_logits = x_flat @ gate_w.T
    probs = jax.nn.softmax(router_logits, axis=-1)
    routing_weights, selected_experts = jax.lax.top_k(probs, K)
    routing_weights = routing_weights / routing_weights.sum(axis=-1, keepdims=True)
    flat_experts = selected_experts.reshape(-1)
    flat_weights = routing_weights.reshape(-1, 1)
    # Expand tokens: [T, H] -> [T*K, H] (token i repeated K times, matching expand+reshape)
    x_expanded = jnp.repeat(x_flat, K, axis=0)
    # Sort by expert id
    sorted_idx = jnp.argsort(flat_experts)
    sorted_experts = flat_experts[sorted_idx]
    sorted_input = x_expanded[sorted_idx]
    sorted_weights = flat_weights[sorted_idx]
    # Per-expert FFN with fixed-shape masked selection (row-wise identical to
    # applying each expert to its contiguous chunk)
    sorted_output = jnp.zeros((sorted_input.shape[0], H), dtype=sorted_input.dtype)
    for e in range(E):
        hidden = jax.nn.silu(sorted_input @ w1[e].T)
        expert_out = hidden @ w2[e].T
        sorted_output = jnp.where((sorted_experts == e)[:, None], expert_out, sorted_output)
    sorted_output = sorted_output * sorted_weights
    # Unsort and combine top-k contributions
    unsort_idx = jnp.argsort(sorted_idx)
    output = sorted_output[unsort_idx].reshape(T, K, H).sum(axis=1)
    return output.reshape(B, S, H)

if __name__ == "__main__":
    import jax
    _d = setup_inputs()
    print(jax.jit(kernel)(*tuple(_d.values())))

</pallas_src>

<mosaic_0001>
#map = affine_map<(d0, d1) -> (0, 0)>
#map1 = affine_map<(d0, d1) -> (0)>
module attributes {stable_mosaic.version = 14 : i64} {
  func.func @body(%arg0: i32, %arg1: i32, %arg2: memref<2048x1024xf32, #tpu.memory_space<hbm>>, %arg3: memref<2048xi32, #tpu.memory_space<hbm>>, %arg4: memref<2048xi32, #tpu.memory_space<hbm>>, %arg5: memref<5120x1024xf32, #tpu.memory_space<hbm>>, %arg6: memref<64x1024xf32, #tpu.memory_space<vmem>>, %arg7: memref<64xi32, #tpu.memory_space<vmem>>, %arg8: memref<64xi32, #tpu.memory_space<vmem>>, %arg9: memref<!tpu.dma_semaphore, #tpu.memory_space<semaphore_mem>>) attributes {dimension_semantics = [#tpu.dimension_semantics<core_parallel>, #tpu.dimension_semantics<subcore_parallel>], iteration_bounds = array<i64: 2, 16>, scalar_prefetch = 0 : i64, scratch_operands = 4 : i64, tpu.core_type = #tpu.core_type<sc_vector_subcore>, window_params = [{transform_indices = #map}, {transform_indices = #map1}, {transform_indices = #map1}, {transform_indices = #map}]} {
    %mul3A = arith.constant 2 : i32
    %mul3A_0 = arith.muli %arg1, %mul3A : i32
    %add3A = arith.addi %mul3A_0, %arg0 : i32
    %mul3A_1 = arith.constant 64 : i32
    %mul3A_2 = arith.muli %add3A, %mul3A_1 : i32
    "tpu.region"() ({
      %run_scoped3A = tpu.sem_alloc : memref<!tpu.dma_semaphore, #tpu.memory_space<semaphore_mem>>
      %dma_start3A_13 = arith.constant 0 : i32
      %dma_start3A_14 = tpu.memref_slice %arg2[%mul3A_2, %dma_start3A_13] : memref<2048x1024xf32, #tpu.memory_space<hbm>> -> memref<64x1024xf32, #tpu.memory_space<hbm>>
      %dma_start3A_15 = arith.constant 0 : i32
      %dma_start3A_16 = tpu.memref_slice %arg2[%mul3A_2, %dma_start3A_15] : memref<2048x1024xf32, #tpu.memory_space<hbm>> -> memref<64x1024xf32, #tpu.memory_space<hbm>>
      tpu.enqueue_dma source(%dma_start3A_16 : memref<64x1024xf32, #tpu.memory_space<hbm>>) target(%arg6 : memref<64x1024xf32, #tpu.memory_space<vmem>>) target_semaphore(%run_scoped3A : memref<!tpu.dma_semaphore, #tpu.memory_space<semaphore_mem>>)
      %dma_wait3A_17 = arith.constant 0 : i32
      %dma_wait3A_18 = tpu.memref_slice %arg2[%mul3A_2, %dma_wait3A_17] : memref<2048x1024xf32, #tpu.memory_space<hbm>> -> memref<64x1024xf32, #tpu.memory_space<hbm>>
      %dma_wait3A_19 = arith.constant 0 : i32
      %dma_wait3A_20 = tpu.memref_slice %arg2[%mul3A_2, %dma_wait3A_19] : memref<2048x1024xf32, #tpu.memory_space<hbm>> -> memref<64x1024xf32, #tpu.memory_space<hbm>>
      tpu.wait_dma2 semaphore(%run_scoped3A : memref<!tpu.dma_semaphore, #tpu.memory_space<semaphore_mem>>) src(%dma_wait3A_20 : memref<64x1024xf32, #tpu.memory_space<hbm>>) dst(%arg6 : memref<64x1024xf32, #tpu.memory_space<vmem>>)
      tpu.yield
    }) : () -> ()
    "tpu.region"() ({
      %run_scoped3A = tpu.sem_alloc : memref<!tpu.dma_semaphore, #tpu.memory_space<semaphore_mem>>
      %dma_start3A_13 = tpu.memref_slice %arg3[%mul3A_2] : memref<2048xi32, #tpu.memory_space<hbm>> -> memref<64xi32, #tpu.memory_space<hbm>>
      %dma_start3A_14 = tpu.memref_slice %arg3[%mul3A_2] : memref<2048xi32, #tpu.memory_space<hbm>> -> memref<64xi32, #tpu.memory_space<hbm>>
      tpu.enqueue_dma source(%dma_start3A_14 : memref<64xi32, #tpu.memory_space<hbm>>) target(%arg7 : memref<64xi32, #tpu.memory_space<vmem>>) target_semaphore(%run_scoped3A : memref<!tpu.dma_semaphore, #tpu.memory_space<semaphore_mem>>)
      %dma_wait3A_15 = tpu.memref_slice %arg3[%mul3A_2] : memref<2048xi32, #tpu.memory_space<hbm>> -> memref<64xi32, #tpu.memory_space<hbm>>
      %dma_wait3A_16 = tpu.memref_slice %arg3[%mul3A_2] : memref<2048xi32, #tpu.memory_space<hbm>> -> memref<64xi32, #tpu.memory_space<hbm>>
      tpu.wait_dma2 semaphore(%run_scoped3A : memref<!tpu.dma_semaphore, #tpu.memory_space<semaphore_mem>>) src(%dma_wait3A_16 : memref<64xi32, #tpu.memory_space<hbm>>) dst(%arg7 : memref<64xi32, #tpu.memory_space<vmem>>)
      tpu.yield
    }) : () -> ()
    "tpu.region"() ({
      %run_scoped3A = tpu.sem_alloc : memref<!tpu.dma_semaphore, #tpu.memory_space<semaphore_mem>>
      %dma_start3A_13 = tpu.memref_slice %arg4[%mul3A_2] : memref<2048xi32, #tpu.memory_space<hbm>> -> memref<64xi32, #tpu.memory_space<hbm>>
      %dma_start3A_14 = tpu.memref_slice %arg4[%mul3A_2] : memref<2048xi32, #tpu.memory_space<hbm>> -> memref<64xi32, #tpu.memory_space<hbm>>
      tpu.enqueue_dma source(%dma_start3A_14 : memref<64xi32, #tpu.memory_space<hbm>>) target(%arg8 : memref<64xi32, #tpu.memory_space<vmem>>) target_semaphore(%run_scoped3A : memref<!tpu.dma_semaphore, #tpu.memory_space<semaphore_mem>>)
      %dma_wait3A_15 = tpu.memref_slice %arg4[%mul3A_2] : memref<2048xi32, #tpu.memory_space<hbm>> -> memref<64xi32, #tpu.memory_space<hbm>>
      %dma_wait3A_16 = tpu.memref_slice %arg4[%mul3A_2] : memref<2048xi32, #tpu.memory_space<hbm>> -> memref<64xi32, #tpu.memory_space<hbm>>
      tpu.wait_dma2 semaphore(%run_scoped3A : memref<!tpu.dma_semaphore, #tpu.memory_space<semaphore_mem>>) src(%dma_wait3A_16 : memref<64xi32, #tpu.memory_space<hbm>>) dst(%arg8 : memref<64xi32, #tpu.memory_space<vmem>>)
      tpu.yield
    }) : () -> ()
    %dma_start3A = arith.constant 0 : i32
    %dma_start3A_3 = arith.constant 0 : i32
    %dma_start3A_4 = tpu.memref_slice %arg5[%dma_start3A, %dma_start3A_3] : memref<5120x1024xf32, #tpu.memory_space<hbm>> -> memref<5120x1024xf32, #tpu.memory_space<hbm>>
    tpu.enqueue_indirect_dma source(%arg6 : memref<64x1024xf32, #tpu.memory_space<vmem>>) target(%dma_start3A_4 : memref<5120x1024xf32, #tpu.memory_space<hbm>>) offsets(%arg7 : memref<64xi32, #tpu.memory_space<vmem>>) semaphore(%arg9 : memref<!tpu.dma_semaphore, #tpu.memory_space<semaphore_mem>>)
    %dma_wait3A = arith.constant 0 : i32
    %dma_wait3A_5 = arith.constant 0 : i32
    %dma_wait3A_6 = tpu.memref_slice %arg5[%dma_wait3A, %dma_wait3A_5] : memref<5120x1024xf32, #tpu.memory_space<hbm>> -> memref<5120x1024xf32, #tpu.memory_space<hbm>>
    tpu.wait_indirect_dma semaphore(%arg9 : memref<!tpu.dma_semaphore, #tpu.memory_space<semaphore_mem>>) src(%arg6 : memref<64x1024xf32, #tpu.memory_space<vmem>>) dst(%dma_wait3A_6 : memref<5120x1024xf32, #tpu.memory_space<hbm>>)
    %dma_start3A_7 = arith.constant 0 : i32
    %dma_start3A_8 = arith.constant 0 : i32
    %dma_start3A_9 = tpu.memref_slice %arg5[%dma_start3A_7, %dma_start3A_8] : memref<5120x1024xf32, #tpu.memory_space<hbm>> -> memref<5120x1024xf32, #tpu.memory_space<hbm>>
    tpu.enqueue_indirect_dma source(%arg6 : memref<64x1024xf32, #tpu.memory_space<vmem>>) target(%dma_start3A_9 : memref<5120x1024xf32, #tpu.memory_space<hbm>>) offsets(%arg8 : memref<64xi32, #tpu.memory_space<vmem>>) semaphore(%arg9 : memref<!tpu.dma_semaphore, #tpu.memory_space<semaphore_mem>>)
    %dma_wait3A_10 = arith.constant 0 : i32
    %dma_wait3A_11 = arith.constant 0 : i32
    %dma_wait3A_12 = tpu.memref_slice %arg5[%dma_wait3A_10, %dma_wait3A_11] : memref<5120x1024xf32, #tpu.memory_space<hbm>> -> memref<5120x1024xf32, #tpu.memory_space<hbm>>
    tpu.wait_indirect_dma semaphore(%arg9 : memref<!tpu.dma_semaphore, #tpu.memory_space<semaphore_mem>>) src(%arg6 : memref<64x1024xf32, #tpu.memory_space<vmem>>) dst(%dma_wait3A_12 : memref<5120x1024xf32, #tpu.memory_space<hbm>>)
    return
  }
}

#map = affine_map<(d0, d1) -> (0, 0)>
#map1 = affine_map<(d0, d1) -> (0)>
#map2 = affine_map<(d0, d1) -> (0, 0, 0)>
module attributes {stable_mosaic.version = 14 : i64} {
  func.func @body(%arg0: i32, %arg1: i32, %arg2: memref<5120x1024xf32, #tpu.memory_space<hbm>>, %arg3: memref<2048xi32, #tpu.memory_space<hbm>>, %arg4: memref<2048xi32, #tpu.memory_space<hbm>>, %arg5: memref<2x2048x1024xf32, #tpu.memory_space<hbm>>, %arg6: memref<64x1024xf32, #tpu.memory_space<vmem>>, %arg7: memref<64xi32, #tpu.memory_space<vmem>>, %arg8: memref<!tpu.dma_semaphore, #tpu.memory_space<semaphore_mem>>) attributes {dimension_semantics = [#tpu.dimension_semantics<core_parallel>, #tpu.dimension_semantics<subcore_parallel>], iteration_bounds = array<i64: 2, 16>, scalar_prefetch = 0 : i64, scratch_operands = 3 : i64, tpu.core_type = #tpu.core_type<sc_vector_subcore>, window_params = [{transform_indices = #map}, {transform_indices = #map1}, {transform_indices = #map1}, {transform_indices = #map2}]} {
    %mul3A = arith.constant 2 : i32
    %mul3A_0 = arith.muli %arg1, %mul3A : i32
    %add3A = arith.addi %mul3A_0, %arg0 : i32
    %mul3A_1 = arith.constant 64 : i32
    %mul3A_2 = arith.muli %add3A, %mul3A_1 : i32
    "tpu.region"() ({
      %run_scoped3A_14 = tpu.sem_alloc : memref<!tpu.dma_semaphore, #tpu.memory_space<semaphore_mem>>
      %dma_start3A_15 = tpu.memref_slice %arg3[%mul3A_2] : memref<2048xi32, #tpu.memory_space<hbm>> -> memref<64xi32, #tpu.memory_space<hbm>>
      %dma_start3A_16 = tpu.memref_slice %arg3[%mul3A_2] : memref<2048xi32, #tpu.memory_space<hbm>> -> memref<64xi32, #tpu.memory_space<hbm>>
      tpu.enqueue_dma source(%dma_start3A_16 : memref<64xi32, #tpu.memory_space<hbm>>) target(%arg7 : memref<64xi32, #tpu.memory_space<vmem>>) target_semaphore(%run_scoped3A_14 : memref<!tpu.dma_semaphore, #tpu.memory_space<semaphore_mem>>)
      %dma_wait3A_17 = tpu.memref_slice %arg3[%mul3A_2] : memref<2048xi32, #tpu.memory_space<hbm>> -> memref<64xi32, #tpu.memory_space<hbm>>
      %dma_wait3A_18 = tpu.memref_slice %arg3[%mul3A_2] : memref<2048xi32, #tpu.memory_space<hbm>> -> memref<64xi32, #tpu.memory_space<hbm>>
      tpu.wait_dma2 semaphore(%run_scoped3A_14 : memref<!tpu.dma_semaphore, #tpu.memory_space<semaphore_mem>>) src(%dma_wait3A_18 : memref<64xi32, #tpu.memory_space<hbm>>) dst(%arg7 : memref<64xi32, #tpu.memory_space<vmem>>)
      tpu.yield
    }) : () -> ()
    %dma_start3A = arith.constant 0 : i32
    %dma_start3A_3 = arith.constant 0 : i32
    %dma_start3A_4 = tpu.memref_slice %arg2[%dma_start3A, %dma_start3A_3] : memref<5120x1024xf32, #tpu.memory_space<hbm>> -> memref<5120x1024xf32, #tpu.memory_space<hbm>>
    tpu.enqueue_indirect_dma source(%dma_start3A_4 : memref<5120x1024xf32, #tpu.memory_space<hbm>>) target(%arg6 : memref<64x1024xf32, #tpu.memory_space<vmem>>) offsets(%arg7 : memref<64xi32, #tpu.memory_space<vmem>>) semaphore(%arg8 : memref<!tpu.dma_semaphore, #tpu.memory_space<semaphore_mem>>)
    %dma_wait3A = arith.constant 0 : i32
    %dma_wait3A_5 = arith.constant 0 : i32
    %dma_wait3A_6 = tpu.memref_slice %arg2[%dma_wait3A, %dma_wait3A_5] : memref<5120x1024xf32, #tpu.memory_space<hbm>> -> memref<5120x1024xf32, #tpu.memory_space<hbm>>
    tpu.wait_indirect_dma semaphore(%arg8 : memref<!tpu.dma_semaphore, #tpu.memory_space<semaphore_mem>>) src(%dma_wait3A_6 : memref<5120x1024xf32, #tpu.memory_space<hbm>>) dst(%arg6 : memref<64x1024xf32, #tpu.memory_space<vmem>>)
    %run_scoped3A = arith.constant 0 : i32
    "tpu.region"() ({
      %run_scoped3A_14 = tpu.sem_alloc : memref<!tpu.dma_semaphore, #tpu.memory_space<semaphore_mem>>
      %dma_start3A_15 = arith.constant 0 : i32
      %dma_start3A_16 = tpu.memref_slice %arg5[%run_scoped3A, %mul3A_2, %dma_start3A_15] : memref<2x2048x1024xf32, #tpu.memory_space<hbm>> -> memref<1x64x1024xf32, #tpu.memory_space<hbm>>
      %dma_start3A_17 = tpu.memref_squeeze %dma_start3A_16 : memref<1x64x1024xf32, #tpu.memory_space<hbm>> -> memref<64x1024xf32, #tpu.memory_space<hbm>>
      %dma_start3A_18 = arith.constant 0 : i32
      %dma_start3A_19 = tpu.memref_slice %arg5[%run_scoped3A, %mul3A_2, %dma_start3A_18] : memref<2x2048x1024xf32, #tpu.memory_space<hbm>> -> memref<1x64x1024xf32, #tpu.memory_space<hbm>>
      %dma_start3A_20 = tpu.memref_squeeze %dma_start3A_19 : memref<1x64x1024xf32, #tpu.memory_space<hbm>> -> memref<64x1024xf32, #tpu.memory_space<hbm>>
      tpu.enqueue_dma source(%arg6 : memref<64x1024xf32, #tpu.memory_space<vmem>>) target(%dma_start3A_20 : memref<64x1024xf32, #tpu.memory_space<hbm>>) target_semaphore(%run_scoped3A_14 : memref<!tpu.dma_semaphore, #tpu.memory_space<semaphore_mem>>)
      %dma_wait3A_21 = arith.constant 0 : i32
      %dma_wait3A_22 = tpu.memref_slice %arg5[%run_scoped3A, %mul3A_2, %dma_wait3A_21] : memref<2x2048x1024xf32, #tpu.memory_space<hbm>> -> memref<1x64x1024xf32, #tpu.memory_space<hbm>>
      %dma_wait3A_23 = tpu.memref_squeeze %dma_wait3A_22 : memref<1x64x1024xf32, #tpu.memory_space<hbm>> -> memref<64x1024xf32, #tpu.memory_space<hbm>>
      %dma_wait3A_24 = arith.constant 0 : i32
      %dma_wait3A_25 = tpu.memref_slice %arg5[%run_scoped3A, %mul3A_2, %dma_wait3A_24] : memref<2x2048x1024xf32, #tpu.memory_space<hbm>> -> memref<1x64x1024xf32, #tpu.memory_space<hbm>>
      %dma_wait3A_26 = tpu.memref_squeeze %dma_wait3A_25 : memref<1x64x1024xf32, #tpu.memory_space<hbm>> -> memref<64x1024xf32, #tpu.memory_space<hbm>>
      tpu.wait_dma2 semaphore(%run_scoped3A_14 : memref<!tpu.dma_semaphore, #tpu.memory_space<semaphore_mem>>) src(%arg6 : memref<64x1024xf32, #tpu.memory_space<vmem>>) dst(%dma_wait3A_26 : memref<64x1024xf32, #tpu.memory_space<hbm>>)
      tpu.yield
    }) : () -> ()
    "tpu.region"() ({
      %run_scoped3A_14 = tpu.sem_alloc : memref<!tpu.dma_semaphore, #tpu.memory_space<semaphore_mem>>
      %dma_start3A_15 = tpu.memref_slice %arg4[%mul3A_2] : memref<2048xi32, #tpu.memory_space<hbm>> -> memref<64xi32, #tpu.memory_space<hbm>>
      %dma_start3A_16 = tpu.memref_slice %arg4[%mul3A_2] : memref<2048xi32, #tpu.memory_space<hbm>> -> memref<64xi32, #tpu.memory_space<hbm>>
      tpu.enqueue_dma source(%dma_start3A_16 : memref<64xi32, #tpu.memory_space<hbm>>) target(%arg7 : memref<64xi32, #tpu.memory_space<vmem>>) target_semaphore(%run_scoped3A_14 : memref<!tpu.dma_semaphore, #tpu.memory_space<semaphore_mem>>)
      %dma_wait3A_17 = tpu.memref_slice %arg4[%mul3A_2] : memref<2048xi32, #tpu.memory_space<hbm>> -> memref<64xi32, #tpu.memory_space<hbm>>
      %dma_wait3A_18 = tpu.memref_slice %arg4[%mul3A_2] : memref<2048xi32, #tpu.memory_space<hbm>> -> memref<64xi32, #tpu.memory_space<hbm>>
      tpu.wait_dma2 semaphore(%run_scoped3A_14 : memref<!tpu.dma_semaphore, #tpu.memory_space<semaphore_mem>>) src(%dma_wait3A_18 : memref<64xi32, #tpu.memory_space<hbm>>) dst(%arg7 : memref<64xi32, #tpu.memory_space<vmem>>)
      tpu.yield
    }) : () -> ()
    %dma_start3A_7 = arith.constant 0 : i32
    %dma_start3A_8 = arith.constant 0 : i32
    %dma_start3A_9 = tpu.memref_slice %arg2[%dma_start3A_7, %dma_start3A_8] : memref<5120x1024xf32, #tpu.memory_space<hbm>> -> memref<5120x1024xf32, #tpu.memory_space<hbm>>
    tpu.enqueue_indirect_dma source(%dma_start3A_9 : memref<5120x1024xf32, #tpu.memory_space<hbm>>) target(%arg6 : memref<64x1024xf32, #tpu.memory_space<vmem>>) offsets(%arg7 : memref<64xi32, #tpu.memory_space<vmem>>) semaphore(%arg8 : memref<!tpu.dma_semaphore, #tpu.memory_space<semaphore_mem>>)
    %dma_wait3A_10 = arith.constant 0 : i32
    %dma_wait3A_11 = arith.constant 0 : i32
    %dma_wait3A_12 = tpu.memref_slice %arg2[%dma_wait3A_10, %dma_wait3A_11] : memref<5120x1024xf32, #tpu.memory_space<hbm>> -> memref<5120x1024xf32, #tpu.memory_space<hbm>>
    tpu.wait_indirect_dma semaphore(%arg8 : memref<!tpu.dma_semaphore, #tpu.memory_space<semaphore_mem>>) src(%dma_wait3A_12 : memref<5120x1024xf32, #tpu.memory_space<hbm>>) dst(%arg6 : memref<64x1024xf32, #tpu.memory_space<vmem>>)
    %run_scoped3A_13 = arith.constant 1 : i32
    "tpu.region"() ({
      %run_scoped3A_14 = tpu.sem_alloc : memref<!tpu.dma_semaphore, #tpu.memory_space<semaphore_mem>>
      %dma_start3A_15 = arith.constant 0 : i32
      %dma_start3A_16 = tpu.memref_slice %arg5[%run_scoped3A_13, %mul3A_2, %dma_start3A_15] : memref<2x2048x1024xf32, #tpu.memory_space<hbm>> -> memref<1x64x1024xf32, #tpu.memory_space<hbm>>
      %dma_start3A_17 = tpu.memref_squeeze %dma_start3A_16 : memref<1x64x1024xf32, #tpu.memory_space<hbm>> -> memref<64x1024xf32, #tpu.memory_space<hbm>>
      %dma_start3A_18 = arith.constant 0 : i32
      %dma_start3A_19 = tpu.memref_slice %arg5[%run_scoped3A_13, %mul3A_2, %dma_start3A_18] : memref<2x2048x1024xf32, #tpu.memory_space<hbm>> -> memref<1x64x1024xf32, #tpu.memory_space<hbm>>
      %dma_start3A_20 = tpu.memref_squeeze %dma_start3A_19 : memref<1x64x1024xf32, #tpu.memory_space<hbm>> -> memref<64x1024xf32, #tpu.memory_space<hbm>>
      tpu.enqueue_dma source(%arg6 : memref<64x1024xf32, #tpu.memory_space<vmem>>) target(%dma_start3A_20 : memref<64x1024xf32, #tpu.memory_space<hbm>>) target_semaphore(%run_scoped3A_14 : memref<!tpu.dma_semaphore, #tpu.memory_space<semaphore_mem>>)
      %dma_wait3A_21 = arith.constant 0 : i32
      %dma_wait3A_22 = tpu.memref_slice %arg5[%run_scoped3A_13, %mul3A_2, %dma_wait3A_21] : memref<2x2048x1024xf32, #tpu.memory_space<hbm>> -> memref<1x64x1024xf32, #tpu.memory_space<hbm>>
      %dma_wait3A_23 = tpu.memref_squeeze %dma_wait3A_22 : memref<1x64x1024xf32, #tpu.memory_space<hbm>> -> memref<64x1024xf32, #tpu.memory_space<hbm>>
      %dma_wait3A_24 = arith.constant 0 : i32
      %dma_wait3A_25 = tpu.memref_slice %arg5[%run_scoped3A_13, %mul3A_2, %dma_wait3A_24] : memref<2x2048x1024xf32, #tpu.memory_space<hbm>> -> memref<1x64x1024xf32, #tpu.memory_space<hbm>>
      %dma_wait3A_26 = tpu.memref_squeeze %dma_wait3A_25 : memref<1x64x1024xf32, #tpu.memory_space<hbm>> -> memref<64x1024xf32, #tpu.memory_space<hbm>>
      tpu.wait_dma2 semaphore(%run_scoped3A_14 : memref<!tpu.dma_semaphore, #tpu.memory_space<semaphore_mem>>) src(%arg6 : memref<64x1024xf32, #tpu.memory_space<vmem>>) dst(%dma_wait3A_26 : memref<64x1024xf32, #tpu.memory_space<hbm>>)
      tpu.yield
    }) : () -> ()
    return
  }
}

module attributes {stable_mosaic.version = 14 : i64} {
  func.func @body(%arg0: i32, %arg1: memref<4096x1xi32, #tpu.memory_space<vmem>>, %arg2: memref<4096x8xf32, #tpu.memory_space<vmem>>, %arg3: memref<4096x1xi32, #tpu.memory_space<vmem>>, %arg4: memref<40x1xi32, #tpu.memory_space<vmem>>, %arg5: memref<1x8xf32, #tpu.memory_space<vmem>>) attributes {dimension_semantics = [#tpu.dimension_semantics<arbitrary>], iteration_bounds = array<i64: 9>, scalar_prefetch = 0 : i64, scratch_operands = 1 : i64, tpu.core_type = #tpu.core_type<tc>, window_params = [{pipeline_mode = #tpu.pipeline_mode<synchronous>, transform_indices = @transform_0, window_bounds = array<i64: 4096, 1>}, {pipeline_mode = #tpu.pipeline_mode<synchronous>, transform_indices = @transform_1, window_bounds = array<i64: 4096, 8>}, {pipeline_mode = #tpu.pipeline_mode<synchronous>, transform_indices = @transform_2, window_bounds = array<i64: 4096, 1>}, {pipeline_mode = #tpu.pipeline_mode<synchronous>, transform_indices = @transform_3, window_bounds = array<i64: 40, 1>}]} {
    %eq3A = arith.constant 0 : i32
    %eq3A_0 = arith.cmpi eq, %arg0, %eq3A : i32
    %convert_element_type3A = arith.extui %eq3A_0 : i1 to i32
    %cond3A = arith.constant 0 : i32
    %cond3A_1 = arith.cmpi ne, %convert_element_type3A, %cond3A : i32
    scf.if %cond3A_1 {
      %broadcast_in_dim3A = arith.constant 0.000000e+00 : f32
      %broadcast_in_dim3A_11 = vector.broadcast %broadcast_in_dim3A : f32 to vector<1x8xf32>
      %swap3A = arith.constant 0 : index
      %swap3A_12 = arith.constant 0 : index
      %swap3A_13 = vector.load %arg5[%swap3A, %swap3A_12] : memref<1x8xf32, #tpu.memory_space<vmem>>, vector<1x8xf32>
      tpu.vector_store %arg5[%swap3A, %swap3A_12], %broadcast_in_dim3A_11 {strides = array<i32>} : memref<1x8xf32, #tpu.memory_space<vmem>>, vector<1x8xf32>,
    } else {
    }
    %lt3A = arith.constant 8 : i32
    %lt3A_2 = arith.cmpi slt, %arg0, %lt3A : i32
    %convert_element_type3A_3 = arith.extui %lt3A_2 : i1 to i32
    %cond3A_4 = arith.constant 0 : i32
    %cond3A_5 = arith.cmpi ne, %convert_element_type3A_3, %cond3A_4 : i32
    scf.if %cond3A_5 {
      %mul3A = arith.constant 512 : i32
      %mul3A_11 = arith.muli %arg0, %mul3A : i32
      %get3A = arith.index_cast %mul3A_11 : i32 to index
      %get3A_12 = arith.constant 0 : index
      %get3A_13 = vector.load %arg1[%get3A, %get3A_12] : memref<4096x1xi32, #tpu.memory_space<vmem>>, vector<512x1xi32>
      %iota3A = tpu.iota {dimensions = array<i32: 1>} : vector<512x8xi32>
      %eq3A_14 = vector.broadcast %get3A_13 : vector<512x1xi32> to vector<512x8xi32>
      %eq3A_15 = arith.cmpi eq, %eq3A_14, %iota3A : vector<512x8xi32>
      %convert_element_type3A_16 = arith.extui %eq3A_15 : vector<512x8xi1> to vector<512x8xi32>
      %convert_element_type3A_17 = arith.sitofp %convert_element_type3A_16 : vector<512x8xi32> to vector<512x8xf32>
      %iota3A_18 = tpu.iota {dimensions = array<i32: 0>} : vector<512x512xi32>
      %iota3A_19 = tpu.iota {dimensions = array<i32: 1>} : vector<512x512xi32>
      %gt3A = arith.cmpi sgt, %iota3A_18, %iota3A_19 : vector<512x512xi32>
      %convert_element_type3A_20 = arith.extui %gt3A : vector<512x512xi1> to vector<512x512xi32>
      %convert_element_type3A_21 = arith.sitofp %convert_element_type3A_20 : vector<512x512xi32> to vector<512x512xf32>
      %dot_general3A = arith.constant dense<0.000000e+00> : vector<512x8xf32>
      %dot_general3A_22 = tpu.matmul %convert_element_type3A_21, %convert_element_type3A_17, %dot_general3A {dimension_numbers = #tpu.dot_dimension_numbers<[1], [0], [0], [1], [0, 0, 1, 1], [], []>, transpose_lhs_hint = false} : vector<512x512xf32>, vector<512x8xf32>, vector<512x8xf32> -> vector<512x8xf32>
      %get3A_23 = arith.constant 0 : index
      %get3A_24 = arith.constant 0 : index
      %get3A_25 = vector.load %arg5[%get3A_23, %get3A_24] : memref<1x8xf32, #tpu.memory_space<vmem>>, vector<1x8xf32>
      %add3A = vector.broadcast %get3A_25 : vector<1x8xf32> to vector<512x8xf32>
      %add3A_26 = arith.addf %dot_general3A_22, %add3A : vector<512x8xf32>
      %mul3A_27 = arith.constant 512 : i32
      %mul3A_28 = arith.muli %arg0, %mul3A_27 : i32
      %swap3A = arith.index_cast %mul3A_28 : i32 to index
      %swap3A_29 = arith.constant 0 : index
      %swap3A_30 = vector.load %arg2[%swap3A, %swap3A_29] : memref<4096x8xf32, #tpu.memory_space<vmem>>, vector<512x8xf32>
      tpu.vector_store %arg2[%swap3A, %swap3A_29], %add3A_26 {strides = array<i32>} : memref<4096x8xf32, #tpu.memory_space<vmem>>, vector<512x8xf32>,
      %get3A_31 = arith.constant 0 : index
      %get3A_32 = arith.constant 0 : index
      %get3A_33 = vector.load %arg5[%get3A_31, %get3A_32] : memref<1x8xf32, #tpu.memory_space<vmem>>, vector<1x8xf32>
      %reduce_sum3A = arith.constant dense<0.000000e+00> : vector<8xf32>
      %reduce_sum3A_34 = vector.multi_reduction <add>, %convert_element_type3A_17, %reduce_sum3A [0] : vector<512x8xf32> to vector<8xf32>
      %broadcast_in_dim3A = vector.shape_cast %reduce_sum3A_34 : vector<8xf32> to vector<1x8xf32>
      %add3A_35 = arith.addf %get3A_33, %broadcast_in_dim3A : vector<1x8xf32>
      %swap3A_36 = arith.constant 0 : index
      %swap3A_37 = arith.constant 0 : index
      %swap3A_38 = vector.load %arg5[%swap3A_36, %swap3A_37] : memref<1x8xf32, #tpu.memory_space<vmem>>, vector<1x8xf32>
      tpu.vector_store %arg5[%swap3A_36, %swap3A_37], %add3A_35 {strides = array<i32>} : memref<1x8xf32, #tpu.memory_space<vmem>>, vector<1x8xf32>,
    } else {
    }
    %eq3A_6 = arith.constant 8 : i32
    %eq3A_7 = arith.cmpi eq, %arg0, %eq3A_6 : i32
    %convert_element_type3A_8 = arith.extui %eq3A_7 : i1 to i32
    %cond3A_9 = arith.constant 0 : i32
    %cond3A_10 = arith.cmpi ne, %convert_element_type3A_8, %cond3A_9 : i32
    scf.if %cond3A_10 {
      %get3A = arith.constant 0 : index
      %get3A_11 = arith.constant 0 : index
      %get3A_12 = vector.load %arg5[%get3A, %get3A_11] : memref<1x8xf32, #tpu.memory_space<vmem>>, vector<1x8xf32>
      %add3A = arith.constant 1.270000e+02 : f32
      %add3A_13 = vector.broadcast %add3A : f32 to vector<1x8xf32>
      %add3A_14 = arith.addf %get3A_12, %add3A_13 : vector<1x8xf32>
      %div3A = arith.constant 1.280000e+02 : f32
      %div3A_15 = vector.broadcast %div3A : f32 to vector<1x8xf32>
      %div3A_16 = arith.divf %add3A_14, %div3A_15 : vector<1x8xf32>
      %floor3A = math.floor %div3A_16 : vector<1x8xf32>
      %iota3A = tpu.iota {dimensions = array<i32: 0>} : vector<8x8xi32>
      %iota3A_17 = tpu.iota {dimensions = array<i32: 1>} : vector<8x8xi32>
      %lt3A_18 = arith.cmpi slt, %iota3A, %iota3A_17 : vector<8x8xi32>
      %convert_element_type3A_19 = arith.extui %lt3A_18 : vector<8x8xi1> to vector<8x8xi32>
      %convert_element_type3A_20 = arith.sitofp %convert_element_type3A_19 : vector<8x8xi32> to vector<8x8xf32>
      %dot_general3A = arith.constant dense<0.000000e+00> : vector<1x8xf32>
      %dot_general3A_21 = tpu.matmul %floor3A, %convert_element_type3A_20, %dot_general3A {dimension_numbers = #tpu.dot_dimension_numbers<[1], [0], [0], [1], [0, 0, 1, 1], [], []>, transpose_lhs_hint = false} : vector<1x8xf32>, vector<8x8xf32>, vector<1x8xf32> -> vector<1x8xf32>
      %mul3A = arith.constant 1.280000e+02 : f32
      %mul3A_22 = vector.broadcast %mul3A : f32 to vector<1x8xf32>
      %mul3A_23 = arith.mulf %dot_general3A_21, %mul3A_22 : vector<1x8xf32>
      %get3A_24 = arith.constant 0 : index
      %get3A_25 = arith.constant 0 : index
      %get3A_26 = vector.load %arg1[%get3A_24, %get3A_25] : memref<4096x1xi32, #tpu.memory_space<vmem>>, vector<4096x1xi32>
      %iota3A_27 = tpu.iota {dimensions = array<i32: 1>} : vector<4096x8xi32>
      %eq3A_28 = vector.broadcast %get3A_26 : vector<4096x1xi32> to vector<4096x8xi32>
      %eq3A_29 = arith.cmpi eq, %eq3A_28, %iota3A_27 : vector<4096x8xi32>
      %convert_element_type3A_30 = arith.extui %eq3A_29 : vector<4096x8xi1> to vector<4096x8xi32>
      %convert_element_type3A_31 = arith.sitofp %convert_element_type3A_30 : vector<4096x8xi32> to vector<4096x8xf32>
      %dot_general3A_32 = arith.constant dense<0.000000e+00> : vector<4096x1xf32>
      %dot_general3A_33 = tpu.matmul %convert_element_type3A_31, %mul3A_23, %dot_general3A_32 {dimension_numbers = #tpu.dot_dimension_numbers<[1], [1], [0], [0], [0, 0, 1, 0], [], []>, transpose_lhs_hint = false} : vector<4096x8xf32>, vector<1x8xf32>, vector<4096x1xf32> -> vector<4096x1xf32>
      %get3A_34 = arith.constant 0 : index
      %get3A_35 = arith.constant 0 : index
      %get3A_36 = vector.load %arg2[%get3A_34, %get3A_35] : memref<4096x8xf32, #tpu.memory_space<vmem>>, vector<4096x8xf32>
      %mul3A_37 = arith.mulf %get3A_36, %convert_element_type3A_31 : vector<4096x8xf32>
      %reduce_sum3A = arith.constant dense<0.000000e+00> : vector<4096xf32>
      %reduce_sum3A_38 = vector.multi_reduction <add>, %mul3A_37, %reduce_sum3A [1] : vector<4096x8xf32> to vector<4096xf32>
      %broadcast_in_dim3A = vector.shape_cast %reduce_sum3A_38 : vector<4096xf32> to vector<4096x1xf32>
      %add3A_39 = arith.addf %dot_general3A_33, %broadcast_in_dim3A : vector<4096x1xf32>
      %convert_element_type3A_40 = arith.fptosi %add3A_39 : vector<4096x1xf32> to vector<4096x1xi32>
      %swap3A = arith.constant 0 : index
      %swap3A_41 = arith.constant 0 : index
      %swap3A_42 = vector.load %arg3[%swap3A, %swap3A_41] : memref<4096x1xi32, #tpu.memory_space<vmem>>, vector<4096x1xi32>
      tpu.vector_store %arg3[%swap3A, %swap3A_41], %convert_element_type3A_40 {strides = array<i32>} : memref<4096x1xi32, #tpu.memory_space<vmem>>, vector<4096x1xi32>,
      %iota3A_43 = tpu.iota {dimensions = array<i32: 0>} : vector<40x8xi32>
      %convert_element_type3A_44 = arith.sitofp %iota3A_43 : vector<40x8xi32> to vector<40x8xf32>
      %ge3A = vector.broadcast %dot_general3A_21 : vector<1x8xf32> to vector<40x8xf32>
      %ge3A_45 = arith.cmpf oge, %convert_element_type3A_44, %ge3A : vector<40x8xf32>
      %convert_element_type3A_46 = arith.extui %ge3A_45 : vector<40x8xi1> to vector<40x8xi32>
      %convert_element_type3A_47 = arith.sitofp %convert_element_type3A_46 : vector<40x8xi32> to vector<40x8xf32>
      %reduce_sum3A_48 = arith.constant dense<0.000000e+00> : vector<40xf32>
      %reduce_sum3A_49 = vector.multi_reduction <add>, %convert_element_type3A_47, %reduce_sum3A_48 [1] : vector<40x8xf32> to vector<40xf32>
      %broadcast_in_dim3A_50 = vector.shape_cast %reduce_sum3A_49 : vector<40xf32> to vector<40x1xf32>
      %sub3A = arith.constant 1.000000e+00 : f32
      %sub3A_51 = vector.broadcast %sub3A : f32 to vector<40x1xf32>
      %sub3A_52 = arith.subf %broadcast_in_dim3A_50, %sub3A_51 : vector<40x1xf32>
      %convert_element_type3A_53 = arith.fptosi %sub3A_52 : vector<40x1xf32> to vector<40x1xi32>
      %swap3A_54 = arith.constant 0 : index
      %swap3A_55 = arith.constant 0 : index
      %swap3A_56 = vector.load %arg4[%swap3A_54, %swap3A_55] : memref<40x1xi32, #tpu.memory_space<vmem>>, vector<40x1xi32>
      tpu.vector_store %arg4[%swap3A_54, %swap3A_55], %convert_element_type3A_53 {strides = array<i32>} : memref<40x1xi32, #tpu.memory_space<vmem>>, vector<40x1xi32>,
    } else {
    }
    return
  }
  func.func @transform_0(%arg0: i32) -> (i32, i32) {
    %c0_i32 = arith.constant 0 : i32
    %c0_i32_0 = arith.constant 0 : i32
    %c0_i32_1 = arith.constant 0 : i32
    return %c0_i32, %c0_i32_0 : i32, i32
  }
  func.func @transform_1(%arg0: i32) -> (i32, i32) {
    %c0_i32 = arith.constant 0 : i32
    %c0_i32_0 = arith.constant 0 : i32
    %c0_i32_1 = arith.constant 0 : i32
    return %c0_i32, %c0_i32_0 : i32, i32
  }
  func.func @transform_2(%arg0: i32) -> (i32, i32) {
    %c0_i32 = arith.constant 0 : i32
    %c0_i32_0 = arith.constant 0 : i32
    %c0_i32_1 = arith.constant 0 : i32
    return %c0_i32, %c0_i32_0 : i32, i32
  }
  func.func @transform_3(%arg0: i32) -> (i32, i32) {
    %c0_i32 = arith.constant 0 : i32
    %c0_i32_0 = arith.constant 0 : i32
    %c0_i32_1 = arith.constant 0 : i32
    return %c0_i32, %c0_i32_0 : i32, i32
  }
}

module attributes {stable_mosaic.version = 14 : i64} {
  func.func @_router_body(%arg0: i32, %arg1: memref<2048x1024xf32, #tpu.memory_space<vmem>>, %arg2: memref<8x1024xf32, #tpu.memory_space<vmem>>, %arg3: memref<2048x2xf32, #tpu.memory_space<vmem>>, %arg4: memref<2048x2xi32, #tpu.memory_space<vmem>>) attributes {dimension_semantics = [#tpu.dimension_semantics<arbitrary>], iteration_bounds = array<i64: 1>, scalar_prefetch = 0 : i64, scratch_operands = 0 : i64, tpu.core_type = #tpu.core_type<tc>, window_params = [{pipeline_mode = #tpu.pipeline_mode<synchronous>, transform_indices = @transform_0, window_bounds = array<i64: 2048, 1024>}, {pipeline_mode = #tpu.pipeline_mode<synchronous>, transform_indices = @transform_1, window_bounds = array<i64: 8, 1024>}, {pipeline_mode = #tpu.pipeline_mode<synchronous>, transform_indices = @transform_2, window_bounds = array<i64: 2048, 2>}, {pipeline_mode = #tpu.pipeline_mode<synchronous>, transform_indices = @transform_3, window_bounds = array<i64: 2048, 2>}]} {
    %get3A = arith.constant 0 : index
    %get3A_0 = arith.constant 0 : index
    %get3A_1 = vector.load %arg1[%get3A, %get3A_0] : memref<2048x1024xf32, #tpu.memory_space<vmem>>, vector<2048x1024xf32>
    %convert_element_type3A = arith.truncf %get3A_1 : vector<2048x1024xf32> to vector<2048x1024xbf16>
    %get3A_2 = arith.constant 0 : index
    %get3A_3 = arith.constant 0 : index
    %get3A_4 = vector.load %arg2[%get3A_2, %get3A_3] : memref<8x1024xf32, #tpu.memory_space<vmem>>, vector<8x1024xf32>
    %convert_element_type3A_5 = arith.truncf %get3A_4 : vector<8x1024xf32> to vector<8x1024xbf16>
    %dot_general3A = arith.constant dense<0.000000e+00> : vector<2048x8xf32>
    %dot_general3A_6 = tpu.matmul %convert_element_type3A, %convert_element_type3A_5, %dot_general3A {dimension_numbers = #tpu.dot_dimension_numbers<[1], [1], [0], [0], [0, 0, 1, 0], [], []>, transpose_lhs_hint = false} : vector<2048x1024xbf16>, vector<8x1024xbf16>, vector<2048x8xf32> -> vector<2048x8xf32>
    %iota3A = tpu.iota {dimensions = array<i32: 1>} : vector<2048x8xi32>
    %reduce_max3A = arith.constant dense<0xFF800000> : vector<2048xf32>
    %reduce_max3A_7 = vector.multi_reduction <maximumf>, %dot_general3A_6, %reduce_max3A [1] : vector<2048x8xf32> to vector<2048xf32>
    %broadcast_in_dim3A = vector.shape_cast %reduce_max3A_7 : vector<2048xf32> to vector<2048x1xf32>
    %eq3A = vector.broadcast %broadcast_in_dim3A : vector<2048x1xf32> to vector<2048x8xf32>
    %eq3A_8 = arith.cmpf oeq, %dot_general3A_6, %eq3A : vector<2048x8xf32>
    %jit3A = arith.constant 8 : i32
    %broadcast_in_dim3A_9 = vector.broadcast %jit3A : i32 to vector<2048x8xi32>
    %select_n3A = arith.select %eq3A_8, %iota3A, %broadcast_in_dim3A_9 : vector<2048x8xi1>, vector<2048x8xi32>
    %reduce_min3A = arith.constant dense<2147483647> : vector<2048xi32>
    %reduce_min3A_10 = vector.multi_reduction <minsi>, %select_n3A, %reduce_min3A [1] : vector<2048x8xi32> to vector<2048xi32>
    %broadcast_in_dim3A_11 = vector.shape_cast %reduce_min3A_10 : vector<2048xi32> to vector<2048x1xi32>
    %eq3A_12 = vector.broadcast %broadcast_in_dim3A_11 : vector<2048x1xi32> to vector<2048x8xi32>
    %eq3A_13 = arith.cmpi eq, %iota3A, %eq3A_12 : vector<2048x8xi32>
    %jit3A_14 = arith.constant -3.40282347E+38 : f32
    %broadcast_in_dim3A_15 = vector.broadcast %jit3A_14 : f32 to vector<2048x8xf32>
    %select_n3A_16 = arith.select %eq3A_13, %broadcast_in_dim3A_15, %dot_general3A_6 : vector<2048x8xi1>, vector<2048x8xf32>
    %reduce_max3A_17 = arith.constant dense<0xFF800000> : vector<2048xf32>
    %reduce_max3A_18 = vector.multi_reduction <maximumf>, %select_n3A_16, %reduce_max3A_17 [1] : vector<2048x8xf32> to vector<2048xf32>
    %broadcast_in_dim3A_19 = vector.shape_cast %reduce_max3A_18 : vector<2048xf32> to vector<2048x1xf32>
    %eq3A_20 = vector.broadcast %broadcast_in_dim3A_19 : vector<2048x1xf32> to vector<2048x8xf32>
    %eq3A_21 = arith.cmpf oeq, %select_n3A_16, %eq3A_20 : vector<2048x8xf32>
    %jit3A_22 = arith.constant 8 : i32
    %broadcast_in_dim3A_23 = vector.broadcast %jit3A_22 : i32 to vector<2048x8xi32>
    %select_n3A_24 = arith.select %eq3A_21, %iota3A, %broadcast_in_dim3A_23 : vector<2048x8xi1>, vector<2048x8xi32>
    %reduce_min3A_25 = arith.constant dense<2147483647> : vector<2048xi32>
    %reduce_min3A_26 = vector.multi_reduction <minsi>, %select_n3A_24, %reduce_min3A_25 [1] : vector<2048x8xi32> to vector<2048xi32>
    %broadcast_in_dim3A_27 = vector.shape_cast %reduce_min3A_26 : vector<2048xi32> to vector<2048x1xi32>
    %sub3A = arith.subf %broadcast_in_dim3A, %broadcast_in_dim3A_19 : vector<2048x1xf32>
    %logistic3A = arith.negf %sub3A : vector<2048x1xf32>
    %logistic3A_28 = math.exp %logistic3A : vector<2048x1xf32>
    %logistic3A_29 = arith.constant 1.000000e+00 : f32
    %logistic3A_30 = vector.broadcast %logistic3A_29 : f32 to vector<2048x1xf32>
    %logistic3A_31 = arith.addf %logistic3A_30, %logistic3A_28 : vector<2048x1xf32>
    %logistic3A_32 = arith.divf %logistic3A_30, %logistic3A_31 : vector<2048x1xf32>
    %sub3A_33 = arith.subf %broadcast_in_dim3A_19, %broadcast_in_dim3A : vector<2048x1xf32>
    %logistic3A_34 = arith.negf %sub3A_33 : vector<2048x1xf32>
    %logistic3A_35 = math.exp %logistic3A_34 : vector<2048x1xf32>
    %logistic3A_36 = arith.constant 1.000000e+00 : f32
    %logistic3A_37 = vector.broadcast %logistic3A_36 : f32 to vector<2048x1xf32>
    %logistic3A_38 = arith.addf %logistic3A_37, %logistic3A_35 : vector<2048x1xf32>
    %logistic3A_39 = arith.divf %logistic3A_37, %logistic3A_38 : vector<2048x1xf32>
    %concatenate3A = tpu.concatenate %logistic3A_32, %logistic3A_39 in 1 : vector<2048x1xf32>, vector<2048x1xf32> -> vector<2048x2xf32>
    %swap3A = arith.constant 0 : index
    %swap3A_40 = arith.constant 0 : index
    %swap3A_41 = vector.load %arg3[%swap3A, %swap3A_40] : memref<2048x2xf32, #tpu.memory_space<vmem>>, vector<2048x2xf32>
    tpu.vector_store %arg3[%swap3A, %swap3A_40], %concatenate3A {strides = array<i32>} : memref<2048x2xf32, #tpu.memory_space<vmem>>, vector<2048x2xf32>,
    %concatenate3A_42 = tpu.concatenate %broadcast_in_dim3A_11, %broadcast_in_dim3A_27 in 1 : vector<2048x1xi32>, vector<2048x1xi32> -> vector<2048x2xi32>
    %swap3A_43 = arith.constant 0 : index
    %swap3A_44 = arith.constant 0 : index
    %swap3A_45 = vector.load %arg4[%swap3A_43, %swap3A_44] : memref<2048x2xi32, #tpu.memory_space<vmem>>, vector<2048x2xi32>
    tpu.vector_store %arg4[%swap3A_43, %swap3A_44], %concatenate3A_42 {strides = array<i32>} : memref<2048x2xi32, #tpu.memory_space<vmem>>, vector<2048x2xi32>,
    return
  }
  func.func @transform_0(%arg0: i32) -> (i32, i32) {
    %c0_i32 = arith.constant 0 : i32
    %c0_i32_0 = arith.constant 0 : i32
    %c0_i32_1 = arith.constant 0 : i32
    return %c0_i32, %c0_i32_0 : i32, i32
  }
  func.func @transform_1(%arg0: i32) -> (i32, i32) {
    %c0_i32 = arith.constant 0 : i32
    %c0_i32_0 = arith.constant 0 : i32
    %c0_i32_1 = arith.constant 0 : i32
    return %c0_i32, %c0_i32_0 : i32, i32
  }
  func.func @transform_2(%arg0: i32) -> (i32, i32) {
    %c0_i32 = arith.constant 0 : i32
    %c0_i32_0 = arith.constant 0 : i32
    %c0_i32_1 = arith.constant 0 : i32
    return %c0_i32, %c0_i32_0 : i32, i32
  }
  func.func @transform_3(%arg0: i32) -> (i32, i32) {
    %c0_i32 = arith.constant 0 : i32
    %c0_i32_0 = arith.constant 0 : i32
    %c0_i32_1 = arith.constant 0 : i32
    return %c0_i32, %c0_i32_0 : i32, i32
  }
}

module attributes {stable_mosaic.version = 14 : i64} {
  func.func @_combine_body(%arg0: i32, %arg1: memref<2x512x1024xf32, #tpu.memory_space<vmem>>, %arg2: memref<512x2xf32, #tpu.memory_space<vmem>>, %arg3: memref<512x1024xf32, #tpu.memory_space<vmem>>) attributes {dimension_semantics = [#tpu.dimension_semantics<arbitrary>], iteration_bounds = array<i64: 4>, scalar_prefetch = 0 : i64, scratch_operands = 0 : i64, tpu.core_type = #tpu.core_type<tc>, window_params = [{transform_indices = @transform_0, window_bounds = array<i64: 2, 512, 1024>}, {transform_indices = @transform_1, window_bounds = array<i64: 512, 2>}, {transform_indices = @transform_2, window_bounds = array<i64: 512, 1024>}]} {
    %get3A = arith.constant 0 : index
    %get3A_0 = arith.constant 0 : index
    %get3A_1 = arith.constant 0 : index
    %get3A_2 = vector.load %arg1[%get3A, %get3A_0, %get3A_1] : memref<2x512x1024xf32, #tpu.memory_space<vmem>>, vector<1x512x1024xf32>
    %get3A_3 = vector.shape_cast %get3A_2 : vector<1x512x1024xf32> to vector<512x1024xf32>
    %get3A_4 = arith.constant 1 : index
    %get3A_5 = arith.constant 0 : index
    %get3A_6 = arith.constant 0 : index
    %get3A_7 = vector.load %arg1[%get3A_4, %get3A_5, %get3A_6] : memref<2x512x1024xf32, #tpu.memory_space<vmem>>, vector<1x512x1024xf32>
    %get3A_8 = vector.shape_cast %get3A_7 : vector<1x512x1024xf32> to vector<512x1024xf32>
    %get3A_9 = arith.constant 0 : index
    %get3A_10 = arith.constant 0 : index
    %get3A_11 = vector.load %arg2[%get3A_9, %get3A_10] : memref<512x2xf32, #tpu.memory_space<vmem>>, vector<512x1xf32>
    %get3A_12 = arith.constant 0 : index
    %get3A_13 = arith.constant 1 : index
    %get3A_14 = vector.load %arg2[%get3A_12, %get3A_13] : memref<512x2xf32, #tpu.memory_space<vmem>>, vector<512x1xf32>
    %mul3A = vector.broadcast %get3A_11 : vector<512x1xf32> to vector<512x1024xf32>
    %mul3A_15 = arith.mulf %get3A_3, %mul3A : vector<512x1024xf32>
    %mul3A_16 = vector.broadcast %get3A_14 : vector<512x1xf32> to vector<512x1024xf32>
    %mul3A_17 = arith.mulf %get3A_8, %mul3A_16 : vector<512x1024xf32>
    %add3A = arith.addf %mul3A_15, %mul3A_17 : vector<512x1024xf32>
    %swap3A = arith.constant 0 : index
    %swap3A_18 = arith.constant 0 : index
    %swap3A_19 = vector.load %arg3[%swap3A, %swap3A_18] : memref<512x1024xf32, #tpu.memory_space<vmem>>, vector<512x1024xf32>
    tpu.vector_store %arg3[%swap3A, %swap3A_18], %add3A {strides = array<i32>} : memref<512x1024xf32, #tpu.memory_space<vmem>>, vector<512x1024xf32>,
    return
  }
  func.func @transform_0(%arg0: i32) -> (i32, i32, i32) {
    %c0_i32 = arith.constant 0 : i32
    %c0_i32_0 = arith.constant 0 : i32
    %c0_i32_1 = arith.constant 0 : i32
    return %c0_i32, %arg0, %c0_i32_0 : i32, i32, i32
  }
  func.func @transform_1(%arg0: i32) -> (i32, i32) {
    %c0_i32 = arith.constant 0 : i32
    %c0_i32_0 = arith.constant 0 : i32
    return %arg0, %c0_i32 : i32, i32
  }
  func.func @transform_2(%arg0: i32) -> (i32, i32) {
    %c0_i32 = arith.constant 0 : i32
    %c0_i32_0 = arith.constant 0 : i32
    return %arg0, %c0_i32 : i32, i32
  }
}

module attributes {stable_mosaic.version = 14 : i64} {
  func.func @body(%arg0: i32, %arg1: i32, %arg2: memref<40xi32, #tpu.memory_space<smem>>, %arg3: memref<5120x1024xf32, #tpu.memory_space<vmem>>, %arg4: memref<1x512x1024xf32, #tpu.memory_space<vmem>>, %arg5: memref<1x1024x512xf32, #tpu.memory_space<vmem>>, %arg6: memref<5120x1024xf32, #tpu.memory_space<vmem>>) attributes {dimension_semantics = [#tpu.dimension_semantics<arbitrary>, #tpu.dimension_semantics<arbitrary>], iteration_bounds = array<i64: 8, 40>, scalar_prefetch = 1 : i64, scratch_operands = 0 : i64, tpu.core_type = #tpu.core_type<tc>, window_params = [{pipeline_mode = #tpu.pipeline_mode<synchronous>, transform_indices = @transform_0, window_bounds = array<i64: 5120, 1024>}, {transform_indices = @transform_1, window_bounds = array<i64: 1, 512, 1024>}, {transform_indices = @transform_2, window_bounds = array<i64: 1, 1024, 512>}, {pipeline_mode = #tpu.pipeline_mode<synchronous>, transform_indices = @transform_3, window_bounds = array<i64: 5120, 1024>}]} {
    %mul3A = arith.constant 128 : i32
    %mul3A_0 = arith.muli %arg1, %mul3A : i32
    %get3A = arith.index_cast %mul3A_0 : i32 to index
    %get3A_1 = arith.constant 0 : index
    %get3A_2 = vector.load %arg3[%get3A, %get3A_1] : memref<5120x1024xf32, #tpu.memory_space<vmem>>, vector<128x1024xf32>
    %convert_element_type3A = arith.truncf %get3A_2 : vector<128x1024xf32> to vector<128x1024xbf16>
    %get3A_3 = arith.constant 0 : index
    %get3A_4 = arith.constant 0 : index
    %get3A_5 = arith.constant 0 : index
    %get3A_6 = vector.load %arg4[%get3A_3, %get3A_4, %get3A_5] : memref<1x512x1024xf32, #tpu.memory_space<vmem>>, vector<1x512x1024xf32>
    %get3A_7 = vector.shape_cast %get3A_6 : vector<1x512x1024xf32> to vector<512x1024xf32>
    %convert_element_type3A_8 = arith.truncf %get3A_7 : vector<512x1024xf32> to vector<512x1024xbf16>
    %dot_general3A = arith.constant dense<0.000000e+00> : vector<128x512xf32>
    %dot_general3A_9 = tpu.matmul %convert_element_type3A, %convert_element_type3A_8, %dot_general3A {dimension_numbers = #tpu.dot_dimension_numbers<[1], [1], [0], [0], [0, 0, 1, 0], [], []>, transpose_lhs_hint = false} : vector<128x1024xbf16>, vector<512x1024xbf16>, vector<128x512xf32> -> vector<128x512xf32>
    %logistic3A = arith.negf %dot_general3A_9 : vector<128x512xf32>
    %logistic3A_10 = math.exp %logistic3A : vector<128x512xf32>
    %logistic3A_11 = arith.constant 1.000000e+00 : f32
    %logistic3A_12 = vector.broadcast %logistic3A_11 : f32 to vector<128x512xf32>
    %logistic3A_13 = arith.addf %logistic3A_12, %logistic3A_10 : vector<128x512xf32>
    %logistic3A_14 = arith.divf %logistic3A_12, %logistic3A_13 : vector<128x512xf32>
    %mul3A_15 = arith.mulf %dot_general3A_9, %logistic3A_14 : vector<128x512xf32>
    %convert_element_type3A_16 = arith.truncf %mul3A_15 : vector<128x512xf32> to vector<128x512xbf16>
    %get3A_17 = arith.constant 0 : index
    %get3A_18 = arith.constant 0 : index
    %get3A_19 = arith.constant 0 : index
    %get3A_20 = vector.load %arg5[%get3A_17, %get3A_18, %get3A_19] : memref<1x1024x512xf32, #tpu.memory_space<vmem>>, vector<1x1024x512xf32>
    %get3A_21 = vector.shape_cast %get3A_20 : vector<1x1024x512xf32> to vector<1024x512xf32>
    %convert_element_type3A_22 = arith.truncf %get3A_21 : vector<1024x512xf32> to vector<1024x512xbf16>
    %dot_general3A_23 = arith.constant dense<0.000000e+00> : vector<128x1024xf32>
    %dot_general3A_24 = tpu.matmul %convert_element_type3A_16, %convert_element_type3A_22, %dot_general3A_23 {dimension_numbers = #tpu.dot_dimension_numbers<[1], [1], [0], [0], [0, 0, 1, 0], [], []>, transpose_lhs_hint = false} : vector<128x512xbf16>, vector<1024x512xbf16>, vector<128x1024xf32> -> vector<128x1024xf32>
    %eq3A = arith.constant 0 : i32
    %eq3A_25 = arith.cmpi eq, %arg0, %eq3A : i32
    %convert_element_type3A_26 = arith.extui %eq3A_25 : i1 to i32
    %cond3A = arith.constant 0 : i32
    %cond3A_27 = arith.cmpi ne, %convert_element_type3A_26, %cond3A : i32
    scf.if %cond3A_27 {
      %swap3A = arith.index_cast %mul3A_0 : i32 to index
      %swap3A_32 = arith.constant 0 : index
      %swap3A_33 = vector.load %arg6[%swap3A, %swap3A_32] : memref<5120x1024xf32, #tpu.memory_space<vmem>>, vector<128x1024xf32>
      tpu.vector_store %arg6[%swap3A, %swap3A_32], %dot_general3A_24 {strides = array<i32>} : memref<5120x1024xf32, #tpu.memory_space<vmem>>, vector<128x1024xf32>,
    } else {
    }
    %gt3A = arith.constant 0 : i32
    %gt3A_28 = arith.cmpi sgt, %arg0, %gt3A : i32
    %convert_element_type3A_29 = arith.extui %gt3A_28 : i1 to i32
    %cond3A_30 = arith.constant 0 : i32
    %cond3A_31 = arith.cmpi ne, %convert_element_type3A_29, %cond3A_30 : i32
    scf.if %cond3A_31 {
      %get3A_32 = arith.index_cast %mul3A_0 : i32 to index
      %get3A_33 = arith.constant 0 : index
      %get3A_34 = vector.load %arg6[%get3A_32, %get3A_33] : memref<5120x1024xf32, #tpu.memory_space<vmem>>, vector<128x1024xf32>
      %add3A = arith.addf %get3A_34, %dot_general3A_24 : vector<128x1024xf32>
      %swap3A = arith.index_cast %mul3A_0 : i32 to index
      %swap3A_35 = arith.constant 0 : index
      %swap3A_36 = vector.load %arg6[%swap3A, %swap3A_35] : memref<5120x1024xf32, #tpu.memory_space<vmem>>, vector<128x1024xf32>
      tpu.vector_store %arg6[%swap3A, %swap3A_35], %add3A {strides = array<i32>} : memref<5120x1024xf32, #tpu.memory_space<vmem>>, vector<128x1024xf32>,
    } else {
    }
    return
  }
  func.func @transform_0(%arg0: i32, %arg1: i32, %arg2: memref<40xi32, #tpu.memory_space<smem>>) -> (i32, i32) {
    %c0_i32 = arith.constant 0 : i32
    %c0_i32_0 = arith.constant 0 : i32
    %c0_i32_1 = arith.constant 0 : i32
    return %c0_i32, %c0_i32_0 : i32, i32
  }
  func.func @transform_1(%arg0: i32, %arg1: i32, %arg2: memref<40xi32, #tpu.memory_space<smem>>) -> (i32, i32, i32) {
    %get3A = arith.index_cast %arg1 : i32 to index
    %get3A_0 = memref.load %arg2[%get3A] : memref<40xi32, #tpu.memory_space<smem>>
    %c0_i32 = arith.constant 0 : i32
    %c0_i32_1 = arith.constant 0 : i32
    return %get3A_0, %arg0, %c0_i32 : i32, i32, i32
  }
  func.func @transform_2(%arg0: i32, %arg1: i32, %arg2: memref<40xi32, #tpu.memory_space<smem>>) -> (i32, i32, i32) {
    %get3A = arith.index_cast %arg1 : i32 to index
    %get3A_0 = memref.load %arg2[%get3A] : memref<40xi32, #tpu.memory_space<smem>>
    %c0_i32 = arith.constant 0 : i32
    %c0_i32_1 = arith.constant 0 : i32
    return %get3A_0, %c0_i32, %arg0 : i32, i32, i32
  }
  func.func @transform_3(%arg0: i32, %arg1: i32, %arg2: memref<40xi32, #tpu.memory_space<smem>>) -> (i32, i32) {
    %c0_i32 = arith.constant 0 : i32
    %c0_i32_0 = arith.constant 0 : i32
    %c0_i32_1 = arith.constant 0 : i32
    return %c0_i32, %c0_i32_0 : i32, i32
  }
}

</mosaic_0001>

<sc_bundles>
// kernel: kernel.11.cloned.1.call-start
scs
__scs_entry_jumppad:
0x0: {  	(pc) =	sbr.rel $0x88, $3  }
0x1: {  	(tag) =	ssettag $0x0;
	lr =	simm.s32 $0x1  }
0x2: {  	[smem:$0x3F9D] =	sst lr;
	_ =	strace $0xD0000000  }
0x3: {  	_ = 	snop  }
0x4: {  	_ = 	snop  }
0x5: {  	_ = 	snop  }
0x6: {  	_ = 	snop  }
0x7: {  	_ = 	snop  }
__scs_overlays_trampoline_lowered:
0x8: {  	[smem:$0x3FAC] =	sst s0  }
0x9: {  	[smem:$0x3FAD] =	sst s1  }
0xa: {  	[smem:$0x3FAE] =	sst s2  }
0xb: {  	[smem:$0x3FAF] =	sst s3  }
0xc: {  	[smem:$0x3FB0] =	sst s4  }
0xd: {  	[smem:$0x3FB1] =	sst s5  }
0xe: {  	[smem:$0x3FB2] =	sst s6  }
0xf: {  	[smem:$0x3FB3] =	sst s7  }
0x10: {  	[smem:$0x3FB4] =	sst s8  }
0x11: {  	[smem:$0x3FB5] =	sst s9;
	s0 =	simm.s32 @!p0 $0x0  }
0x12: {  	s1 =	sld [smem:$0x3F9B];
	s0 =	simm.s32 @p0 $0x1  }
0x13: {  	[smem:$0x3FB6] =	sst s0;
	s0 =	simm.s32 @!p1 $0x0  }
0x14: {  	s2 =	sld [smem:$0x3F9A];
	s0 =	simm.s32 @p1 $0x1  }
0x15: {  	[smem:$0x3FB7] =	sst s0;
	s0 =	simm.s32 @!p2 $0x0  }
0x16: {  	s3 =	sld [smem:$0x3FDB];
	s0 =	simm.s32 @p2 $0x1  }
0x17: {  	s4 =	simm.s32 $0x1BF5;
	[smem:$0x3FB9] =	sst s0  }
0x18: {  	s0 =	sld [smem:$0x3F9C];
	_ =	swait.ge [sflag:s4], $0x0  }
0x19: {  	s7 =	sld [smem:$0x3F9D]  }
0x1a: {  	s8 =	sadd.s32 $0xFFFFE003, lr  }
0x1b: {  	s9 =	sadd.s32 $0xFFFFFEF7, lr;
	s5 =	simm.s32 $0xFFFFFFFF;
	p2 =	slt.u32 s8, $0xFFFFF086  }
0x1c: {  	p1 =	slt.u32 s9, $0xF7A;
	s5 =	simm.s32 @!p2 $0x0  }
0x1d: {  	s5 =	simm.s32 @p1 $0x1;
	p0 =	seq.s32 s7, s2  }
0x1e: {  	s7 =	smul.u32 @!p0 $0xF7A, s2;
	p2 =	seq.s32 @!p0 s5, $0x0  }
0x1f: {  	s9 =	smul.u32 $0xF7A, s1;
	s8 =	simm.s32 @!p0 $0x1BF5;
	p2 =	por !p2, p0  }
0x20: {  	[sflag:s8] =	ssyncset.s32 @!p0 $0xFFFFF086;
	s6 =	sadd.s32 @!p0 s3, s7;
	s7 =	simm.s32 @!p0 $0x108  }
0x21: {  	s3 =	sadd.s32 s3, s9;
	s6 =	sadd.s32 @!p0 $0x88, s6;
	s7 =	simm.s32 @p2 $0x1082  }
0x22: {  	[simem:s7], [sflag:s8] =	dma.local @!p0 [hbm:s6], $0xF7A  }
0x23: {  	s9 =	sor.u32 $0xD0000000, s2;
	s6 =	simm.s32 $0x108;
	_ =	swait.ge @!p0 [sflag:s8], $0x0  }
0x24: {  	s3 =	sadd.s32 $0x88, s3;
	s6 =	simm.s32 @!p1 $0x1082;
	[sflag:s4] =	ssyncset.s32 $0xFFFFF086  }
0x25: {  	[simem:s6], [sflag:s4] =	dma.local [hbm:s3], $0xF7A  }
0x26: {  	[smem:$0x3F9D] =	sst s1;
	(tag) =	ssettag s2;
	_ =	strace s9  }
0x27: {  	s1 =	sld [smem:$0x3FAD]  }
0x28: {  	s2 =	sld [smem:$0x3FAE]  }
0x29: {  	s4 =	sld [smem:$0x3FB0]  }
0x2a: {  	p0 =	seq.s32 s5, $0x0;
	s5 =	sld [smem:$0x3FB1]  }
0x2b: {  	s6 =	sld [smem:$0x3FB2]  }
0x2c: {  	s7 =	sld [smem:$0x3FB3]  }
0x2d: {  	s3 =	simm.s32 $0x108;
	s8 =	sld [smem:$0x3FB4]  }
0x2e: {  	s3 =	simm.s32 @!p0 $0x1082;
	s9 =	sld [smem:$0x3FB5]  }
0x2f: {  	lr =	sadd.s32 s0, s3;
	s0 =	sld [smem:$0x3FAC]  }
0x30: {  	s3 =	sld [smem:$0x3FAF]  }
0x31: {  	[smem:$0x3FB8] =	sst s10  }
0x32: {  	s10 =	sld [smem:$0x3FB6];
	_ =	sdelay $0x3  }
0x33: {  	p0 =	seq.s32 s10, $0x1;
	s10 =	sld [smem:$0x3FB8];
	_ =	sdelay $0x3  }
0x34: {  	[smem:$0x3FB8] =	sst s10  }
0x35: {  	s10 =	sld [smem:$0x3FB7];
	_ =	sdelay $0x3  }
0x36: {  	p1 =	seq.s32 s10, $0x1;
	s10 =	sld [smem:$0x3FB8];
	_ =	sdelay $0x3  }
0x37: {  	[smem:$0x3FB8] =	sst s10  }
0x38: {  	s10 =	sld [smem:$0x3FB9]  }
0x39: {  	_ = 	snop;
	(pc) =	sbr.ind lr, $3  }
0x3a: {  	_ = 	snop  }
0x3b: {  	_ = 	snop  }
0x3c: {  	p2 =	seq.s32 s10, $0x1;
	s10 =	sld [smem:$0x3FB8]  }
0x3d: {  	_ =	shalt  }
0x3e: {  	_ =	shalt  }
0x3f: {  	_ =	shalt  }
0x40: {  	_ =	shalt  }
0x41: {  	_ =	shalt  }
0x42: {  	_ =	shalt  }
0x43: {  	_ =	shalt  }
0x44: {  	_ =	shalt  }
0x45: {  	_ =	shalt  }
0x46: {  	_ =	shalt  }
0x47: {  	_ =	shalt  }
0x48: {  	_ =	shalt  }
0x49: {  	_ =	shalt  }
0x4a: {  	_ =	shalt  }
0x4b: {  	_ =	shalt  }
0x4c: {  	_ =	shalt  }
0x4d: {  	_ =	shalt  }
0x4e: {  	_ =	shalt  }
0x4f: {  	_ =	shalt  }
0x50: {  	_ =	shalt  }
0x51: {  	_ =	shalt  }
0x52: {  	_ =	shalt  }
0x53: {  	_ =	shalt  }
0x54: {  	_ =	shalt  }
0x55: {  	_ =	shalt  }
0x56: {  	_ =	shalt  }
0x57: {  	_ =	shalt  }
0x58: {  	_ =	shalt  }
0x59: {  	_ =	shalt  }
0x5a: {  	_ =	shalt  }
0x5b: {  	_ =	shalt  }
0x5c: {  	_ =	shalt  }
0x5d: {  	_ =	shalt  }
0x5e: {  	_ =	shalt  }
0x5f: {  	_ =	shalt  }
0x60: {  	_ =	shalt  }
0x61: {  	_ =	shalt  }
0x62: {  	_ =	shalt  }
0x63: {  	_ =	shalt  }
0x64: {  	_ =	shalt  }
0x65: {  	_ =	shalt  }
0x66: {  	_ =	shalt  }
0x67: {  	_ =	shalt  }
0x68: {  	_ =	shalt  }
0x69: {  	_ =	shalt  }
0x6a: {  	_ =	shalt  }
0x6b: {  	_ =	shalt  }
0x6c: {  	_ =	shalt  }
0x6d: {  	_ =	shalt  }
0x6e: {  	_ =	shalt  }
0x6f: {  	_ =	shalt  }
0x70: {  	_ =	shalt  }
0x71: {  	_ =	shalt  }
0x72: {  	_ =	shalt  }
0x73: {  	_ =	shalt  }
0x74: {  	_ =	shalt  }
0x75: {  	_ =	shalt  }
0x76: {  	_ =	shalt  }
0x77: {  	_ =	shalt  }
0x78: {  	_ =	shalt  }
0x79: {  	_ =	shalt  }
0x7a: {  	_ =	shalt  }
0x7b: {  	_ =	shalt  }
0x7c: {  	_ =	shalt  }
0x7d: {  	_ =	shalt  }
0x7e: {  	_ =	shalt  }
0x7f: {  	_ =	shalt  }
0x80: {  	_ =	shalt  }
0x81: {  	_ =	shalt  }
0x82: {  	_ =	shalt  }
0x83: {  	_ =	shalt  }
0x84: {  	_ =	shalt  }
0x85: {  	_ =	shalt  }
0x86: {  	_ =	shalt  }
0x87: {  	_ =	shalt  }
.Lfunc_end0:
.L_simem_size_0:
called_computation.1_lowered:
.L_overlay_start_0:
0x88: {  	s2 =	sld [smem:$0x3FD9]  }
0x89: {  	s3 =	sld [smem:$0x3FFE];
	_ =	sdelay $0x1  }
0x8a: {  	s1 =	srdreg.scid  }
0x8b: {  	s0 =	sand.u32 $0x1, s1  }
0x8c: {  	s17 =	sshll.u32 s0, $0xA;
	s2 =	sadd.s32 s3, s2  }
0x8d: {  	s2 =	sadd.s32 s2, s17  }
0x8e: {  	[smem:$0x3FC4] =	sst s2  }
0x8f: {  	_ = 	snop  }
0x90: {  	s2 =	sld [smem:$0x3FD0];
	(tm) =	ssettm $0x1  }
0x91: {  	s18 =	sld [smem:$0x3FFB];
	_ =	sdelay $0x3  }
0x92: {  	_ =	strace s18  }
0x93: {  	s3 =	sld [smem:$0x3FFC];
	_ =	sdelay $0x3  }
0x94: {  	_ =	strace s3  }
0x95: {  	s3 =	sld [smem:$0x3FFD];
	_ =	sdelay $0x3  }
0x96: {  	_ =	strace s3  }
0x97: {  	_ =	strace $0x8FFFFFFF  }
0x98: {  	s19 =	sld [smem:$0x3FDB];
	_ =	sdelay $0x1  }
0x99: {  	s4 =	simm.s32 $_scs_section_size  }
0x9a: {  	s5 =	simm.s32 $_size__tile_overlayer_lowered;
	s6 =	simm.s32 $_tile_overlayer_lowered  }
0x9b: {  	s22 =	simm.s32 $0x1BFF;
	s21 =	sshll.u32 s6, $0x1;
	s3 =	sadd.s32 s4, s19  }
0x9c: {  	s7 =	simm.s32 $0x0;
	s20 =	sshll.u32 s5, $0x1;
	s5 =	sadd.s32 s21, s3  }
0x9d: {  	[timem:s7], [sflag:s22] =	dma.local [hbm:s5], s20  }
0x9e: {  	_ =	swait.ge [sflag:s22], s20  }
0x9f: {  	s4 =	ssub.s32 $0x0, s20;
	[sflag:s22] =	ssyncset.done $0x0  }
0xa0: {  	[sflag:s22] =	ssyncadd.s32 s4;
	_ =	sdelay $0x1  }
0xa1: {  	s23 =	simm.s32 $0x1B8B  }
0xa2: {  	_ =	swait.ge [sflag:s23], $0x1  }
0xa3: {  	[sflag:s23] =	ssyncset.done $0x0  }
0xa4: {  	s25 =	simm.s32 $0x1B8E;
	s24 =	sld [smem:$0x3FFE];
	[sflag:s23] =	ssyncadd.s32 $0xFFFFFFFF  }
0xa5: {  	s26 =	simm.s32 $execute0_lowered;
	[smem:$0x3FD2] =	sst s25  }
0xa6: {  	s5 =	sshll.u32 s26, $0x1;
	_ =	strace $0x80000049;
	[dreg:$0x1] =	wrdreg $0xFFFFFFFF  }
0xa7: {  	s28 =	simm.s32 $_size_execute0_lowered;
	s3 =	sadd.s32 s3, s5;
	[dreg:$0x0] =	wrdreg $0x0  }
0xa8: {  	s5 =	sshll.u32 s28, $0x1;
	[dreg:$0x2] =	wrdreg s3  }
0xa9: {  	[dreg:$0x3] =	wrdreg s5  }
0xaa: {  	[dreg:$0x4] =	wrdreg $0xC0  }
0xab: {  	_ =	task [dreg:s7], $0x5FFFF  }
0xac: {  	[dreg:$0x1] =	wrdreg $0xFFFFFFFF  }
0xad: {  	[dreg:$0x0] =	wrdreg $0x60  }
0xae: {  	[dreg:$0x2] =	wrdreg s24  }
0xaf: {  	[dreg:$0x3] =	wrdreg s2  }
0xb0: {  	[dreg:$0x4] =	wrdreg $0x9  }
0xb1: {  	_ =	task.clear_ibuf [dreg:s7], $0x5FFFF;
	_ =	strace $0x90000049  }
0xb2: {  	s29 =	simm.s32 $0x9;
	_ =	strace $0x8000004B  }
0xb3: {  	_ =	swait.ge [sflag:s29], $0x1  }
0xb4: {  	[sflag:s29] =	ssyncadd.s32 $0xFFFFFFFF  }
0xb5: {  	_ =	strace $0x9000004B  }
0xb6: {  	_ =	sfence  }
0xb7: {  	s30 =	sld [smem:$0x0];
	_ =	sdelay $0x2  }
0xb8: {  	s31 =	sshll.u32 s1, $0xD;
	s1 =	sshrl.u32 s1, $0x2  }
0xb9: {  	s3 =	sand.u32 $0x4000, s31;
	s1 =	sadd.s32 s1, s30  }
0xba: {  	s0 =	sor.u32 s3, s0;
	s1 =	sshll.u32 s1, $0x11  }
0xbb: {  	s0 =	sor.u32 s1, s0  }
0xbc: {  	s0 =	sadd.s32 $0x8F2B, s0  }
0xbd: {  	[sflag:s0] =	ssyncadd.remote.s32 $0x1  }
0xbe: {  	_ =	sfence.sel $0xFFFF  }
0xbf: {  	[dreg:$0x0] =	wrdreg $0xFFFFFFFF;
	(pc) =	sbr.abs _section_cstart, $3  }
0xc0: {  	[dreg:$0x1] =	wrdreg $0xFFFFFFFF  }
0xc1: {  	_ =	task.clear_ibuf [dreg:s7], $0x2FFFF;
	_ =	strace $0x9FFFFFFF  }
0xc2: {  	(tm) =	ssettm $0x7FFFFFFF  }
0xc3: {  	_ =	shalt  }
tec
execute0_lowered:
.L_overlay_start_1:
0x0: {  	(tag) =	ssettag $0x1  }
0x1: {  	s0 =	rddreg [dreg:$0x0]  }
0x2: {  	s1 =	rddreg [dreg:$0x1];
	s3 =	srdreg.scid  }
0x3: {  	s2 =	simm.s32 $0x0;
	s5 =	stileid.u32;
	s17 =	simm.s32 $0x1  }
0x4: {  	s19 =	simm.s32 $0x10000;
	s20 =	simm.s32 $0x800;
	s21 =	simm.s32 $0x1000  }
0x5: {  	s28 =	simm.s32 $0x4000;
	s29 =	simm.s32 $0x4800;
	s30 =	simm.s32 $0x5000  }
0x6: {  	s31 =	simm.s32 $0x5800;
	s10 =	simm.s32 $0x7800;
	s11 =	simm.s32 $0x8000  }
0x7: {  	s12 =	simm.s32 $0x8800;
	s13 =	simm.s32 $0x9000;
	s14 =	simm.s32 $0x9800  }
0x8: {  	s15 =	simm.s32 $0xA000;
	s16 =	simm.s32 $0xA800;
	s4 =	sand.u32 $0x1, s3  }
0x9: {  	[smem:$0x7FF] =	sst s2;
	s22 =	sshll.u32 s5, $0x7;
	s3 =	sadd.s32 $0x9000, s0  }
0xa: {  	s23 =	sshll.u32 s4, $0x6;
	_ =	strace $0x8000004A;
	s4 =	ssub.s32 $0x2, s4  }
0xb: {  	s5 =	sor.u32 s23, s22;
	s8 =	sshrl.u32 s4, $0x1;
	s22 =	simm.s32 $0x1800  }
0xc: {  	s23 =	simm.s32 $0x2000;
	s6 =	sshrl.u32 s5, $0x3;
	s5 =	sshll.u32 s5, $0x7  }
0xd: {  	s8 =	ssub.s32 s4, s8;
	s4 =	sadd.s32 $0x9100, s0;
	s7 =	sadd.s32 s6, s0  }
0xe: {  	s9 =	sadd.s32 s5, s0;
	s1 =	sadd.s32 s1, s6;
	s5 =	sadd.s32 $0x9200, s0  }
0xf: {  	s6 =	sadd.s32 $0x9300, s0;
	[dreg:$0x3] =	wrdreg s1;
	s24 =	sadd.s32 $0xA9000, s9  }
0x10: {  	s25 =	sadd.s32 $0x8E00, s7;
	s26 =	sadd.s32 $0xE9000, s9;
	[dreg:$0x4] =	wrdreg s24  }
0x11: {  	v2 =	vlaneseq.u32;
	s7 =	smax.u32 s8, $0x1;
	s9 =	simm.s32 $0x2;
	[dreg:$0x5] =	wrdreg s25  }
0x12: {  	vm0 =	vmmov $0xffff;
	v1 =	vshrl.u32 v2, $0x3;
	s1 =	simm.s32 $0x6800;
	s8 =	simm.s32 $0x7000;
	[dreg:$0x6] =	wrdreg s26  }
0x13: {  	v0 =	vand.u32 $0x7, v2;
	v2 =	vor.u32 $0x8, v2;
	v1 =	vmul.u32 $0x8, v1;
	s24 =	simm.s32 $0x2800;
	s25 =	simm.s32 $0x3000;
	s26 =	simm.s32 $0x3800  }
.LBB2_1:
0x14: {  	s18 =	rddreg [dreg:$0x3]  }
0x15: {  	[tilespmem:s19], [sflag:$0x2] =	stream.linear.gather [hbm4b:s18+s2], $0x40, $0x38;
	[tilespmem:$0x10080] =	vst v63  }
0x16: {  	_ =	swait.ge [sflag:s9], $0x40  }
0x17: {  	[sflag:s9] =	ssyncset.done $0x0  }
0x18: {  	[sflag:s9] =	ssyncadd.s32 $0xFFFFFFC0  }
0x19: {  	v3 =	vld [tilespmem:$0x10000];
	_ =	sdelay $0x4  }
0x1a: {  	v4 =	vshll.u32 v3, $0x3  }
0x1b: {  	v3 =	vand.u32 $0x7, v3;
	v4 =	vand.u32 $0xFFFFFFC0, v4  }
0x1c: {  	v3 =	vor.u32 v3, v4  }
0x1d: {  	v4 =	vperm.xlane v3, v0;
	_ =	sdelay $0x1  }
0x1e: {  	v4 =	vadd.s32 v1, v4;
	_ =	sdelay $0x4  }
0x1f: {  	[tilespmem:s2], [sflag:$0x1] =	stream.indirect_vreg.gather [hbm4b:s3+s2], $0x80, v4, vm0, $0xb8;
	[tilespmem:$0x10080] =	vst v63  }
0x20: {  	v3 =	vperm.xlane v3, v2  }
0x21: {  	[tilespmem:s20], [sflag:$0x1] =	stream.indirect_vreg.gather [hbm4b:s4+s2], $0x80, v4, vm0, $0xb8;
	[tilespmem:$0x10080] =	vst v63  }
0x22: {  	v3 =	vadd.s32 v1, v3  }
0x23: {  	[tilespmem:s21], [sflag:$0x1] =	stream.indirect_vreg.gather [hbm4b:s5+s2], $0x80, v4, vm0, $0xb8;
	[tilespmem:$0x10080] =	vst v63  }
0x24: {  	_ = 	snop  }
0x25: {  	[tilespmem:s22], [sflag:$0x1] =	stream.indirect_vreg.gather [hbm4b:s6+s2], $0x80, v4, vm0, $0xb8;
	[tilespmem:$0x10080] =	vst v63  }
0x26: {  	_ = 	snop  }
0x27: {  	[tilespmem:s23], [sflag:$0x1] =	stream.indirect_vreg.gather [hbm4b:s3+s2], $0x80, v3, vm0, $0xb8;
	[tilespmem:$0x10080] =	vst v63  }
0x28: {  	_ = 	snop  }
0x29: {  	[tilespmem:s24], [sflag:$0x1] =	stream.indirect_vreg.gather [hbm4b:s4+s2], $0x80, v3, vm0, $0xb8;
	[tilespmem:$0x10080] =	vst v63  }
0x2a: {  	_ = 	snop  }
0x2b: {  	[tilespmem:s25], [sflag:$0x1] =	stream.indirect_vreg.gather [hbm4b:s5+s2], $0x80, v3, vm0, $0xb8;
	[tilespmem:$0x10080] =	vst v63  }
0x2c: {  	_ = 	snop  }
0x2d: {  	[tilespmem:s26], [sflag:$0x1] =	stream.indirect_vreg.gather [hbm4b:s6+s2], $0x80, v3, vm0, $0xb8;
	[tilespmem:$0x10080] =	vst v63  }
0x2e: {  	v3 =	vld [tilespmem:$0x10010];
	_ =	sdelay $0x4  }
0x2f: {  	v57 =	vshll.u32 v3, $0x3  }
0x30: {  	v3 =	vand.u32 $0x7, v3;
	v4 =	vand.u32 $0xFFFFFFC0, v57  }
0x31: {  	v3 =	vor.u32 v3, v4  }
0x32: {  	v4 =	vperm.xlane v3, v0;
	_ =	sdelay $0x1  }
0x33: {  	v4 =	vadd.s32 v1, v4;
	_ =	sdelay $0x4  }
0x34: {  	[tilespmem:s28], [sflag:$0x1] =	stream.indirect_vreg.gather [hbm4b:s3+s2], $0x80, v4, vm0, $0xb8;
	[tilespmem:$0x10080] =	vst v63  }
0x35: {  	v3 =	vperm.xlane v3, v2  }
0x36: {  	[tilespmem:s29], [sflag:$0x1] =	stream.indirect_vreg.gather [hbm4b:s4+s2], $0x80, v4, vm0, $0xb8;
	[tilespmem:$0x10080] =	vst v63  }
0x37: {  	v3 =	vadd.s32 v1, v3  }
0x38: {  	[tilespmem:s30], [sflag:$0x1] =	stream.indirect_vreg.gather [hbm4b:s5+s2], $0x80, v4, vm0, $0xb8;
	[tilespmem:$0x10080] =	vst v63  }
0x39: {  	_ = 	snop  }
0x3a: {  	[tilespmem:s31], [sflag:$0x1] =	stream.indirect_vreg.gather [hbm4b:s6+s2], $0x80, v4, vm0, $0xb8;
	[tilespmem:$0x10080] =	vst v63  }
0x3b: {  	s0 =	simm.s32 $0x6000  }
0x3c: {  	[tilespmem:s0], [sflag:$0x1] =	stream.indirect_vreg.gather [hbm4b:s3+s2], $0x80, v3, vm0, $0xb8;
	[tilespmem:$0x10080] =	vst v63  }
0x3d: {  	_ = 	snop  }
0x3e: {  	[tilespmem:s1], [sflag:$0x1] =	stream.indirect_vreg.gather [hbm4b:s4+s2], $0x80, v3, vm0, $0xb8;
	[tilespmem:$0x10080] =	vst v63  }
0x3f: {  	_ = 	snop  }
0x40: {  	[tilespmem:s8], [sflag:$0x1] =	stream.indirect_vreg.gather [hbm4b:s5+s2], $0x80, v3, vm0, $0xb8;
	[tilespmem:$0x10080] =	vst v63  }
0x41: {  	_ = 	snop  }
0x42: {  	[tilespmem:s10], [sflag:$0x1] =	stream.indirect_vreg.gather [hbm4b:s6+s2], $0x80, v3, vm0, $0xb8;
	[tilespmem:$0x10080] =	vst v63  }
0x43: {  	v3 =	vld [tilespmem:$0x10020];
	_ =	sdelay $0x4  }
0x44: {  	v58 =	vshll.u32 v3, $0x3  }
0x45: {  	v3 =	vand.u32 $0x7, v3;
	v4 =	vand.u32 $0xFFFFFFC0, v58  }
0x46: {  	v3 =	vor.u32 v3, v4  }
0x47: {  	v4 =	vperm.xlane v3, v0;
	_ =	sdelay $0x1  }
0x48: {  	v4 =	vadd.s32 v1, v4;
	_ =	sdelay $0x4  }
0x49: {  	[tilespmem:s11], [sflag:$0x1] =	stream.indirect_vreg.gather [hbm4b:s3+s2], $0x80, v4, vm0, $0xb8;
	[tilespmem:$0x10080] =	vst v63  }
0x4a: {  	v3 =	vperm.xlane v3, v2  }
0x4b: {  	[tilespmem:s12], [sflag:$0x1] =	stream.indirect_vreg.gather [hbm4b:s4+s2], $0x80, v4, vm0, $0xb8;
	[tilespmem:$0x10080] =	vst v63  }
0x4c: {  	v3 =	vadd.s32 v1, v3  }
0x4d: {  	[tilespmem:s13], [sflag:$0x1] =	stream.indirect_vreg.gather [hbm4b:s5+s2], $0x80, v4, vm0, $0xb8;
	[tilespmem:$0x10080] =	vst v63  }
0x4e: {  	_ = 	snop  }
0x4f: {  	[tilespmem:s14], [sflag:$0x1] =	stream.indirect_vreg.gather [hbm4b:s6+s2], $0x80, v4, vm0, $0xb8;
	[tilespmem:$0x10080] =	vst v63  }
0x50: {  	_ = 	snop  }
0x51: {  	[tilespmem:s15], [sflag:$0x1] =	stream.indirect_vreg.gather [hbm4b:s3+s2], $0x80, v3, vm0, $0xb8;
	[tilespmem:$0x10080] =	vst v63  }
0x52: {  	_ = 	snop  }
0x53: {  	[tilespmem:s16], [sflag:$0x1] =	stream.indirect_vreg.gather [hbm4b:s4+s2], $0x80, v3, vm0, $0xb8;
	[tilespmem:$0x10080] =	vst v63  }
0x54: {  	s18 =	simm.s32 $0xB000  }
0x55: {  	[tilespmem:s18], [sflag:$0x1] =	stream.indirect_vreg.gather [hbm4b:s5+s2], $0x80, v3, vm0, $0xb8;
	[tilespmem:$0x10080] =	vst v63  }
0x56: {  	s18 =	simm.s32 $0xB800  }
0x57: {  	[tilespmem:s18], [sflag:$0x1] =	stream.indirect_vreg.gather [hbm4b:s6+s2], $0x80, v3, vm0, $0xb8;
	[tilespmem:$0x10080] =	vst v63  }
0x58: {  	v3 =	vld [tilespmem:$0x10030];
	_ =	sdelay $0x4  }
0x59: {  	v59 =	vshll.u32 v3, $0x3  }
0x5a: {  	v3 =	vand.u32 $0x7, v3;
	v4 =	vand.u32 $0xFFFFFFC0, v59  }
0x5b: {  	v3 =	vor.u32 v3, v4  }
0x5c: {  	v4 =	vperm.xlane v3, v0;
	_ =	sdelay $0x1  }
0x5d: {  	v4 =	vadd.s32 v1, v4;
	_ =	sdelay $0x3  }
0x5e: {  	s18 =	simm.s32 $0xC000  }
0x5f: {  	[tilespmem:s18], [sflag:$0x1] =	stream.indirect_vreg.gather [hbm4b:s3+s2], $0x80, v4, vm0, $0xb8;
	[tilespmem:$0x10080] =	vst v63  }
0x60: {  	v3 =	vperm.xlane v3, v2;
	s18 =	simm.s32 $0xC800  }
0x61: {  	[tilespmem:s18], [sflag:$0x1] =	stream.indirect_vreg.gather [hbm4b:s4+s2], $0x80, v4, vm0, $0xb8;
	[tilespmem:$0x10080] =	vst v63  }
0x62: {  	v3 =	vadd.s32 v1, v3;
	s18 =	simm.s32 $0xD000  }
0x63: {  	[tilespmem:s18], [sflag:$0x1] =	stream.indirect_vreg.gather [hbm4b:s5+s2], $0x80, v4, vm0, $0xb8;
	[tilespmem:$0x10080] =	vst v63  }
0x64: {  	s18 =	simm.s32 $0xD800  }
0x65: {  	[tilespmem:s18], [sflag:$0x1] =	stream.indirect_vreg.gather [hbm4b:s6+s2], $0x80, v4, vm0, $0xb8;
	[tilespmem:$0x10080] =	vst v63  }
0x66: {  	s18 =	simm.s32 $0xE000  }
0x67: {  	[tilespmem:s18], [sflag:$0x1] =	stream.indirect_vreg.gather [hbm4b:s3+s2], $0x80, v3, vm0, $0xb8;
	[tilespmem:$0x10080] =	vst v63  }
0x68: {  	s18 =	simm.s32 $0xE800  }
0x69: {  	[tilespmem:s18], [sflag:$0x1] =	stream.indirect_vreg.gather [hbm4b:s4+s2], $0x80, v3, vm0, $0xb8;
	[tilespmem:$0x10080] =	vst v63  }
0x6a: {  	s18 =	simm.s32 $0xF000  }
0x6b: {  	[tilespmem:s18], [sflag:$0x1] =	stream.indirect_vreg.gather [hbm4b:s5+s2], $0x80, v3, vm0, $0xb8;
	[tilespmem:$0x10080] =	vst v63  }
0x6c: {  	s18 =	simm.s32 $0xF800  }
0x6d: {  	[tilespmem:s18], [sflag:$0x1] =	stream.indirect_vreg.gather [hbm4b:s6+s2], $0x80, v3, vm0, $0xb8;
	[tilespmem:$0x10080] =	vst v63  }
0x6e: {  	_ =	swait.ge [sflag:s17], $0x10000  }
0x6f: {  	[sflag:s17] =	ssyncset.done $0x0  }
0x70: {  	s18 =	rddreg [dreg:$0x4];
	[sflag:s17] =	ssyncadd.s32 $0xFFFF0000  }
0x71: {  	[hbm4b:s18+s2] =	stream.linear.scatter [tilespmem:s2], [sflag:$0x2], $0x10000, $0x38;
	[tilespmem:$0x10080] =	vst v63  }
0x72: {  	_ =	swait.ge [sflag:s9], $0x10000  }
0x73: {  	[sflag:s9] =	ssyncset.done $0x0  }
0x74: {  	s18 =	rddreg [dreg:$0x5];
	[sflag:s9] =	ssyncadd.s32 $0xFFFF0000  }
0x75: {  	[tilespmem:s19], [sflag:$0x2] =	stream.linear.gather [hbm4b:s18+s2], $0x40, $0x38;
	[tilespmem:$0x10080] =	vst v63  }
0x76: {  	_ =	swait.ge [sflag:s9], $0x40  }
0x77: {  	[sflag:s9] =	ssyncset.done $0x0  }
0x78: {  	[sflag:s9] =	ssyncadd.s32 $0xFFFFFFC0  }
0x79: {  	v3 =	vld [tilespmem:$0x10000];
	_ =	sdelay $0x4  }
0x7a: {  	v60 =	vshll.u32 v3, $0x3  }
0x7b: {  	v3 =	vand.u32 $0x7, v3;
	v4 =	vand.u32 $0xFFFFFFC0, v60  }
0x7c: {  	v3 =	vor.u32 v3, v4  }
0x7d: {  	v4 =	vperm.xlane v3, v0;
	_ =	sdelay $0x1  }
0x7e: {  	v4 =	vadd.s32 v1, v4;
	_ =	sdelay $0x4  }
0x7f: {  	[tilespmem:s2], [sflag:$0x1] =	stream.indirect_vreg.gather [hbm4b:s3+s2], $0x80, v4, vm0, $0xb8;
	[tilespmem:$0x10080] =	vst v63  }
0x80: {  	v3 =	vperm.xlane v3, v2  }
0x81: {  	[tilespmem:s20], [sflag:$0x1] =	stream.indirect_vreg.gather [hbm4b:s4+s2], $0x80, v4, vm0, $0xb8;
	[tilespmem:$0x10080] =	vst v63  }
0x82: {  	v3 =	vadd.s32 v1, v3  }
0x83: {  	[tilespmem:s21], [sflag:$0x1] =	stream.indirect_vreg.gather [hbm4b:s5+s2], $0x80, v4, vm0, $0xb8;
	[tilespmem:$0x10080] =	vst v63  }
0x84: {  	_ = 	snop  }
0x85: {  	[tilespmem:s22], [sflag:$0x1] =	stream.indirect_vreg.gather [hbm4b:s6+s2], $0x80, v4, vm0, $0xb8;
	[tilespmem:$0x10080] =	vst v63  }
0x86: {  	_ = 	snop  }
0x87: {  	[tilespmem:s23], [sflag:$0x1] =	stream.indirect_vreg.gather [hbm4b:s3+s2], $0x80, v3, vm0, $0xb8;
	[tilespmem:$0x10080] =	vst v63  }
0x88: {  	_ = 	snop  }
0x89: {  	[tilespmem:s24], [sflag:$0x1] =	stream.indirect_vreg.gather [hbm4b:s4+s2], $0x80, v3, vm0, $0xb8;
	[tilespmem:$0x10080] =	vst v63  }
0x8a: {  	_ = 	snop  }
0x8b: {  	[tilespmem:s25], [sflag:$0x1] =	stream.indirect_vreg.gather [hbm4b:s5+s2], $0x80, v3, vm0, $0xb8;
	[tilespmem:$0x10080] =	vst v63  }
0x8c: {  	_ = 	snop  }
0x8d: {  	[tilespmem:s26], [sflag:$0x1] =	stream.indirect_vreg.gather [hbm4b:s6+s2], $0x80, v3, vm0, $0xb8;
	[tilespmem:$0x10080] =	vst v63  }
0x8e: {  	v3 =	vld [tilespmem:$0x10010];
	_ =	sdelay $0x4  }
0x8f: {  	v61 =	vshll.u32 v3, $0x3  }
0x90: {  	v3 =	vand.u32 $0x7, v3;
	v4 =	vand.u32 $0xFFFFFFC0, v61  }
0x91: {  	v3 =	vor.u32 v3, v4  }
0x92: {  	v4 =	vperm.xlane v3, v0;
	_ =	sdelay $0x1  }
0x93: {  	v4 =	vadd.s32 v1, v4;
	_ =	sdelay $0x4  }
0x94: {  	[tilespmem:s28], [sflag:$0x1] =	stream.indirect_vreg.gather [hbm4b:s3+s2], $0x80, v4, vm0, $0xb8;
	[tilespmem:$0x10080] =	vst v63  }
0x95: {  	v3 =	vperm.xlane v3, v2  }
0x96: {  	[tilespmem:s29], [sflag:$0x1] =	stream.indirect_vreg.gather [hbm4b:s4+s2], $0x80, v4, vm0, $0xb8;
	[tilespmem:$0x10080] =	vst v63  }
0x97: {  	v3 =	vadd.s32 v1, v3  }
0x98: {  	[tilespmem:s30], [sflag:$0x1] =	stream.indirect_vreg.gather [hbm4b:s5+s2], $0x80, v4, vm0, $0xb8;
	[tilespmem:$0x10080] =	vst v63  }
0x99: {  	_ = 	snop  }
0x9a: {  	[tilespmem:s31], [sflag:$0x1] =	stream.indirect_vreg.gather [hbm4b:s6+s2], $0x80, v4, vm0, $0xb8;
	[tilespmem:$0x10080] =	vst v63  }
0x9b: {  	_ = 	snop  }
0x9c: {  	[tilespmem:s0], [sflag:$0x1] =	stream.indirect_vreg.gather [hbm4b:s3+s2], $0x80, v3, vm0, $0xb8;
	[tilespmem:$0x10080] =	vst v63  }
0x9d: {  	_ = 	snop  }
0x9e: {  	[tilespmem:s1], [sflag:$0x1] =	stream.indirect_vreg.gather [hbm4b:s4+s2], $0x80, v3, vm0, $0xb8;
	[tilespmem:$0x10080] =	vst v63  }
0x9f: {  	_ = 	snop  }
0xa0: {  	[tilespmem:s8], [sflag:$0x1] =	stream.indirect_vreg.gather [hbm4b:s5+s2], $0x80, v3, vm0, $0xb8;
	[tilespmem:$0x10080] =	vst v63  }
0xa1: {  	_ = 	snop  }
0xa2: {  	[tilespmem:s10], [sflag:$0x1] =	stream.indirect_vreg.gather [hbm4b:s6+s2], $0x80, v3, vm0, $0xb8;
	[tilespmem:$0x10080] =	vst v63  }
0xa3: {  	v3 =	vld [tilespmem:$0x10020];
	_ =	sdelay $0x4  }
0xa4: {  	v62 =	vshll.u32 v3, $0x3  }
0xa5: {  	v3 =	vand.u32 $0x7, v3;
	v4 =	vand.u32 $0xFFFFFFC0, v62  }
0xa6: {  	v3 =	vor.u32 v3, v4  }
0xa7: {  	v4 =	vperm.xlane v3, v0;
	_ =	sdelay $0x1  }
0xa8: {  	v4 =	vadd.s32 v1, v4;
	_ =	sdelay $0x4  }
0xa9: {  	[tilespmem:s11], [sflag:$0x1] =	stream.indirect_vreg.gather [hbm4b:s3+s2], $0x80, v4, vm0, $0xb8;
	[tilespmem:$0x10080] =	vst v63  }
0xaa: {  	v3 =	vperm.xlane v3, v2  }
0xab: {  	[tilespmem:s12], [sflag:$0x1] =	stream.indirect_vreg.gather [hbm4b:s4+s2], $0x80, v4, vm0, $0xb8;
	[tilespmem:$0x10080] =	vst v63  }
0xac: {  	v3 =	vadd.s32 v1, v3  }
0xad: {  	[tilespmem:s13], [sflag:$0x1] =	stream.indirect_vreg.gather [hbm4b:s5+s2], $0x80, v4, vm0, $0xb8;
	[tilespmem:$0x10080] =	vst v63  }
0xae: {  	_ = 	snop  }
0xaf: {  	[tilespmem:s14], [sflag:$0x1] =	stream.indirect_vreg.gather [hbm4b:s6+s2], $0x80, v4, vm0, $0xb8;
	[tilespmem:$0x10080] =	vst v63  }
0xb0: {  	_ = 	snop  }
0xb1: {  	[tilespmem:s15], [sflag:$0x1] =	stream.indirect_vreg.gather [hbm4b:s3+s2], $0x80, v3, vm0, $0xb8;
	[tilespmem:$0x10080] =	vst v63  }
0xb2: {  	_ = 	snop  }
0xb3: {  	[tilespmem:s16], [sflag:$0x1] =	stream.indirect_vreg.gather [hbm4b:s4+s2], $0x80, v3, vm0, $0xb8;
	[tilespmem:$0x10080] =	vst v63  }
0xb4: {  	s18 =	simm.s32 $0xB000  }
0xb5: {  	[tilespmem:s18], [sflag:$0x1] =	stream.indirect_vreg.gather [hbm4b:s5+s2], $0x80, v3, vm0, $0xb8;
	[tilespmem:$0x10080] =	vst v63  }
0xb6: {  	s18 =	simm.s32 $0xB800  }
0xb7: {  	[tilespmem:s18], [sflag:$0x1] =	stream.indirect_vreg.gather [hbm4b:s6+s2], $0x80, v3, vm0, $0xb8;
	[tilespmem:$0x10080] =	vst v63  }
0xb8: {  	v3 =	vld [tilespmem:$0x10030];
	_ =	sdelay $0x4  }
0xb9: {  	v63 =	vshll.u32 v3, $0x3  }
0xba: {  	v3 =	vand.u32 $0x7, v3;
	v4 =	vand.u32 $0xFFFFFFC0, v63  }
0xbb: {  	v3 =	vor.u32 v3, v4  }
0xbc: {  	v4 =	vperm.xlane v3, v0;
	_ =	sdelay $0x1  }
0xbd: {  	v4 =	vadd.s32 v1, v4;
	_ =	sdelay $0x3  }
0xbe: {  	s18 =	simm.s32 $0xC000  }
0xbf: {  	[tilespmem:s18], [sflag:$0x1] =	stream.indirect_vreg.gather [hbm4b:s3+s2], $0x80, v4, vm0, $0xb8;
	[tilespmem:$0x10080] =	vst v63  }
0xc0: {  	v3 =	vperm.xlane v3, v2;
	s18 =	simm.s32 $0xC800  }
0xc1: {  	[tilespmem:s18], [sflag:$0x1] =	stream.indirect_vreg.gather [hbm4b:s4+s2], $0x80, v4, vm0, $0xb8;
	[tilespmem:$0x10080] =	vst v63  }
0xc2: {  	v3 =	vadd.s32 v1, v3;
	s18 =	simm.s32 $0xD000  }
0xc3: {  	[tilespmem:s18], [sflag:$0x1] =	stream.indirect_vreg.gather [hbm4b:s5+s2], $0x80, v4, vm0, $0xb8;
	[tilespmem:$0x10080] =	vst v63  }
0xc4: {  	s18 =	simm.s32 $0xD800  }
0xc5: {  	[tilespmem:s18], [sflag:$0x1] =	stream.indirect_vreg.gather [hbm4b:s6+s2], $0x80, v4, vm0, $0xb8;
	[tilespmem:$0x10080] =	vst v63  }
0xc6: {  	s18 =	simm.s32 $0xE000  }
0xc7: {  	[tilespmem:s18], [sflag:$0x1] =	stream.indirect_vreg.gather [hbm4b:s3+s2], $0x80, v3, vm0, $0xb8;
	[tilespmem:$0x10080] =	vst v63  }
0xc8: {  	s18 =	simm.s32 $0xE800  }
0xc9: {  	[tilespmem:s18], [sflag:$0x1] =	stream.indirect_vreg.gather [hbm4b:s4+s2], $0x80, v3, vm0, $0xb8;
	[tilespmem:$0x10080] =	vst v63  }
0xca: {  	s18 =	simm.s32 $0xF000  }
0xcb: {  	[tilespmem:s18], [sflag:$0x1] =	stream.indirect_vreg.gather [hbm4b:s5+s2], $0x80, v3, vm0, $0xb8;
	[tilespmem:$0x10080] =	vst v63  }
0xcc: {  	s18 =	simm.s32 $0xF800  }
0xcd: {  	[tilespmem:s18], [sflag:$0x1] =	stream.indirect_vreg.gather [hbm4b:s6+s2], $0x80, v3, vm0, $0xb8;
	[tilespmem:$0x10080] =	vst v63  }
0xce: {  	_ =	swait.ge [sflag:s17], $0x10000  }
0xcf: {  	p0 =	sne.s32 s7, $0x1;
	[sflag:s17] =	ssyncset.done $0x0  }
.Ltmp0:
0xd0: {  	s0 =	rddreg [dreg:$0x6];
	[sflag:s17] =	ssyncadd.s32 $0xFFFF0000;
	(pc) =	sbr.rel @p0 .LBB2_1-.Ltmp0, $4  }
0xd1: {  	[hbm4b:s0+s2] =	stream.linear.scatter [tilespmem:s2], [sflag:$0x2], $0x10000, $0x38;
	[tilespmem:$0x10080] =	vst v63  }
0xd2: {  	_ =	swait.ge [sflag:s9], $0x10000  }
0xd3: {  	[sflag:s9] =	ssyncset.done $0x0  }
0xd4: {  	s7 =	sadd.s32 $0xFFFFFFFF, s7;
	[sflag:s9] =	ssyncadd.s32 $0xFFFF0000  }
0xd5: {  	_ =	sfence.sel $0x180000  }
0xd6: {  	[bflag:$0x0] =	sbarrier.arrive $0xFFFF  }
0xd7: {  	_ =	strace $0x9000004A  }
0xd8: {  	s0 =	stileid.u32;
	[bflag:$0x2] =	sbarrier.arrive $0xFFFF  }
0xd9: {  	p0 =	sne.s32 s0, $0x0;
	s0 =	rddreg [dreg:$0x2]  }
0xda: {  	s0 =	sadd.s32 @!p0 $0x100000, s0  }
0xdb: {  	[sflag:s0] =	ssyncadd.tile.s32 @!p0 $0x1;
	_ =	shalt  }
.Lfunc_end2:
_tile_overlayer_lowered:
.L_overlay_start_2:
0xdc: {  	(tag) =	ssettag $0x2  }
0xdd: {  	s0 =	rddreg [dreg:$0x0];
	s2 =	stileid.u32  }
0xde: {  	s1 =	rddreg [dreg:$0x1];
	p0 =	sne.s32 s2, $0x0  }
0xdf: {  	s3 =	rddreg [dreg:$0x2];
	[bflag:$0x3] =	sbarrier.arrive $0xFFFF;
	s2 =	simm.s32 @!p0 $0x1C02  }
0xe0: {  	[timem:s3], [sflag:s2] =	dma.local @!p0 [hbm:s0], s1  }
0xe1: {  	s0 =	simm.s32 @!p0 $0x2  }
0xe2: {  	_ =	swait.ge @!p0 [sflag:s0], s1  }
0xe3: {  	s1 =	ssub.s32 @!p0 $0x0, s1;
	[sflag:s0] =	ssyncset.done @!p0 $0x0  }
0xe4: {  	[sflag:s0] =	ssyncadd.s32 @!p0 s1  }
0xe5: {  	[bflag:$0x3] =	sbarrier.arrive $0xFFFF  }
0xe6: {  	_ =	shalt  }

// kernel: kernel.8.cloned.1.call-start
scs
__scs_entry_jumppad:
0x0: {  	(pc) =	sbr.rel $0x88, $3  }
0x1: {  	(tag) =	ssettag $0x0;
	lr =	simm.s32 $0x1  }
0x2: {  	[smem:$0x3F9D] =	sst lr;
	_ =	strace $0xD0000000  }
0x3: {  	_ = 	snop  }
0x4: {  	_ = 	snop  }
0x5: {  	_ = 	snop  }
0x6: {  	_ = 	snop  }
0x7: {  	_ = 	snop  }
__scs_overlays_trampoline_lowered:
0x8: {  	[smem:$0x3FAC] =	sst s0  }
0x9: {  	[smem:$0x3FAD] =	sst s1  }
0xa: {  	[smem:$0x3FAE] =	sst s2  }
0xb: {  	[smem:$0x3FAF] =	sst s3  }
0xc: {  	[smem:$0x3FB0] =	sst s4  }
0xd: {  	[smem:$0x3FB1] =	sst s5  }
0xe: {  	[smem:$0x3FB2] =	sst s6  }
0xf: {  	[smem:$0x3FB3] =	sst s7  }
0x10: {  	[smem:$0x3FB4] =	sst s8  }
0x11: {  	[smem:$0x3FB5] =	sst s9;
	s0 =	simm.s32 @!p0 $0x0  }
0x12: {  	s1 =	sld [smem:$0x3F9B];
	s0 =	simm.s32 @p0 $0x1  }
0x13: {  	[smem:$0x3FB6] =	sst s0;
	s0 =	simm.s32 @!p1 $0x0  }
0x14: {  	s2 =	sld [smem:$0x3F9A];
	s0 =	simm.s32 @p1 $0x1  }
0x15: {  	[smem:$0x3FB7] =	sst s0;
	s0 =	simm.s32 @!p2 $0x0  }
0x16: {  	s3 =	sld [smem:$0x3FDB];
	s0 =	simm.s32 @p2 $0x1  }
0x17: {  	s4 =	simm.s32 $0x1BF5;
	[smem:$0x3FB9] =	sst s0  }
0x18: {  	s0 =	sld [smem:$0x3F9C];
	_ =	swait.ge [sflag:s4], $0x0  }
0x19: {  	s7 =	sld [smem:$0x3F9D]  }
0x1a: {  	s8 =	sadd.s32 $0xFFFFE003, lr  }
0x1b: {  	s9 =	sadd.s32 $0xFFFFFEF7, lr;
	s5 =	simm.s32 $0xFFFFFFFF;
	p2 =	slt.u32 s8, $0xFFFFF086  }
0x1c: {  	p1 =	slt.u32 s9, $0xF7A;
	s5 =	simm.s32 @!p2 $0x0  }
0x1d: {  	s5 =	simm.s32 @p1 $0x1;
	p0 =	seq.s32 s7, s2  }
0x1e: {  	s7 =	smul.u32 @!p0 $0xF7A, s2;
	p2 =	seq.s32 @!p0 s5, $0x0  }
0x1f: {  	s9 =	smul.u32 $0xF7A, s1;
	s8 =	simm.s32 @!p0 $0x1BF5;
	p2 =	por !p2, p0  }
0x20: {  	[sflag:s8] =	ssyncset.s32 @!p0 $0xFFFFF086;
	s6 =	sadd.s32 @!p0 s3, s7;
	s7 =	simm.s32 @!p0 $0x108  }
0x21: {  	s3 =	sadd.s32 s3, s9;
	s6 =	sadd.s32 @!p0 $0x88, s6;
	s7 =	simm.s32 @p2 $0x1082  }
0x22: {  	[simem:s7], [sflag:s8] =	dma.local @!p0 [hbm:s6], $0xF7A  }
0x23: {  	s9 =	sor.u32 $0xD0000000, s2;
	s6 =	simm.s32 $0x108;
	_ =	swait.ge @!p0 [sflag:s8], $0x0  }
0x24: {  	s3 =	sadd.s32 $0x88, s3;
	s6 =	simm.s32 @!p1 $0x1082;
	[sflag:s4] =	ssyncset.s32 $0xFFFFF086  }
0x25: {  	[simem:s6], [sflag:s4] =	dma.local [hbm:s3], $0xF7A  }
0x26: {  	[smem:$0x3F9D] =	sst s1;
	(tag) =	ssettag s2;
	_ =	strace s9  }
0x27: {  	s1 =	sld [smem:$0x3FAD]  }
0x28: {  	s2 =	sld [smem:$0x3FAE]  }
0x29: {  	s4 =	sld [smem:$0x3FB0]  }
0x2a: {  	p0 =	seq.s32 s5, $0x0;
	s5 =	sld [smem:$0x3FB1]  }
0x2b: {  	s6 =	sld [smem:$0x3FB2]  }
0x2c: {  	s7 =	sld [smem:$0x3FB3]  }
0x2d: {  	s3 =	simm.s32 $0x108;
	s8 =	sld [smem:$0x3FB4]  }
0x2e: {  	s3 =	simm.s32 @!p0 $0x1082;
	s9 =	sld [smem:$0x3FB5]  }
0x2f: {  	lr =	sadd.s32 s0, s3;
	s0 =	sld [smem:$0x3FAC]  }
0x30: {  	s3 =	sld [smem:$0x3FAF]  }
0x31: {  	[smem:$0x3FB8] =	sst s10  }
0x32: {  	s10 =	sld [smem:$0x3FB6];
	_ =	sdelay $0x3  }
0x33: {  	p0 =	seq.s32 s10, $0x1;
	s10 =	sld [smem:$0x3FB8];
	_ =	sdelay $0x3  }
0x34: {  	[smem:$0x3FB8] =	sst s10  }
0x35: {  	s10 =	sld [smem:$0x3FB7];
	_ =	sdelay $0x3  }
0x36: {  	p1 =	seq.s32 s10, $0x1;
	s10 =	sld [smem:$0x3FB8];
	_ =	sdelay $0x3  }
0x37: {  	[smem:$0x3FB8] =	sst s10  }
0x38: {  	s10 =	sld [smem:$0x3FB9]  }
0x39: {  	_ = 	snop;
	(pc) =	sbr.ind lr, $3  }
0x3a: {  	_ = 	snop  }
0x3b: {  	_ = 	snop  }
0x3c: {  	p2 =	seq.s32 s10, $0x1;
	s10 =	sld [smem:$0x3FB8]  }
0x3d: {  	_ =	shalt  }
0x3e: {  	_ =	shalt  }
0x3f: {  	_ =	shalt  }
0x40: {  	_ =	shalt  }
0x41: {  	_ =	shalt  }
0x42: {  	_ =	shalt  }
0x43: {  	_ =	shalt  }
0x44: {  	_ =	shalt  }
0x45: {  	_ =	shalt  }
0x46: {  	_ =	shalt  }
0x47: {  	_ =	shalt  }
0x48: {  	_ =	shalt  }
0x49: {  	_ =	shalt  }
0x4a: {  	_ =	shalt  }
0x4b: {  	_ =	shalt  }
0x4c: {  	_ =	shalt  }
0x4d: {  	_ =	shalt  }
0x4e: {  	_ =	shalt  }
0x4f: {  	_ =	shalt  }
0x50: {  	_ =	shalt  }
0x51: {  	_ =	shalt  }
0x52: {  	_ =	shalt  }
0x53: {  	_ =	shalt  }
0x54: {  	_ =	shalt  }
0x55: {  	_ =	shalt  }
0x56: {  	_ =	shalt  }
0x57: {  	_ =	shalt  }
0x58: {  	_ =	shalt  }
0x59: {  	_ =	shalt  }
0x5a: {  	_ =	shalt  }
0x5b: {  	_ =	shalt  }
0x5c: {  	_ =	shalt  }
0x5d: {  	_ =	shalt  }
0x5e: {  	_ =	shalt  }
0x5f: {  	_ =	shalt  }
0x60: {  	_ =	shalt  }
0x61: {  	_ =	shalt  }
0x62: {  	_ =	shalt  }
0x63: {  	_ =	shalt  }
0x64: {  	_ =	shalt  }
0x65: {  	_ =	shalt  }
0x66: {  	_ =	shalt  }
0x67: {  	_ =	shalt  }
0x68: {  	_ =	shalt  }
0x69: {  	_ =	shalt  }
0x6a: {  	_ =	shalt  }
0x6b: {  	_ =	shalt  }
0x6c: {  	_ =	shalt  }
0x6d: {  	_ =	shalt  }
0x6e: {  	_ =	shalt  }
0x6f: {  	_ =	shalt  }
0x70: {  	_ =	shalt  }
0x71: {  	_ =	shalt  }
0x72: {  	_ =	shalt  }
0x73: {  	_ =	shalt  }
0x74: {  	_ =	shalt  }
0x75: {  	_ =	shalt  }
0x76: {  	_ =	shalt  }
0x77: {  	_ =	shalt  }
0x78: {  	_ =	shalt  }
0x79: {  	_ =	shalt  }
0x7a: {  	_ =	shalt  }
0x7b: {  	_ =	shalt  }
0x7c: {  	_ =	shalt  }
0x7d: {  	_ =	shalt  }
0x7e: {  	_ =	shalt  }
0x7f: {  	_ =	shalt  }
0x80: {  	_ =	shalt  }
0x81: {  	_ =	shalt  }
0x82: {  	_ =	shalt  }
0x83: {  	_ =	shalt  }
0x84: {  	_ =	shalt  }
0x85: {  	_ =	shalt  }
0x86: {  	_ =	shalt  }
0x87: {  	_ =	shalt  }
.Lfunc_end0:
.L_simem_size_0:
called_computation_lowered:
.L_overlay_start_0:
0x88: {  	s2 =	sld [smem:$0x3FD9]  }
0x89: {  	s3 =	sld [smem:$0x3FFE];
	_ =	sdelay $0x1  }
0x8a: {  	s1 =	srdreg.scid  }
0x8b: {  	s0 =	sand.u32 $0x1, s1  }
0x8c: {  	s17 =	sshll.u32 s0, $0xA;
	s2 =	sadd.s32 s3, s2  }
0x8d: {  	s2 =	sadd.s32 s2, s17  }
0x8e: {  	[smem:$0x3FC4] =	sst s2  }
0x8f: {  	_ = 	snop  }
0x90: {  	s2 =	sld [smem:$0x3FC9]  }
0x91: {  	s18 =	sld [smem:$0x3FD0];
	(tm) =	ssettm $0x1  }
0x92: {  	s4 =	sld [smem:$0x3FFB];
	_ =	sdelay $0x3  }
0x93: {  	_ =	strace s4  }
0x94: {  	s4 =	sld [smem:$0x3FFC];
	_ =	sdelay $0x3  }
0x95: {  	_ =	strace s4  }
0x96: {  	s4 =	sld [smem:$0x3FFD];
	_ =	sdelay $0x3  }
0x97: {  	_ =	strace s4  }
0x98: {  	_ =	strace $0x8FFFFFFF  }
0x99: {  	s19 =	sld [smem:$0x3FDB];
	_ =	sdelay $0x1  }
0x9a: {  	s5 =	simm.s32 $_scs_section_size  }
0x9b: {  	s6 =	simm.s32 $_size__tile_overlayer_lowered;
	s7 =	simm.s32 $_tile_overlayer_lowered  }
0x9c: {  	s22 =	simm.s32 $0x1BFF;
	s21 =	sshll.u32 s7, $0x1;
	s4 =	sadd.s32 s5, s19  }
0x9d: {  	s8 =	simm.s32 $0x0;
	s20 =	sshll.u32 s6, $0x1;
	s6 =	sadd.s32 s21, s4  }
0x9e: {  	[timem:s8], [sflag:s22] =	dma.local [hbm:s6], s20  }
0x9f: {  	_ =	swait.ge [sflag:s22], s20  }
0xa0: {  	s5 =	ssub.s32 $0x0, s20;
	[sflag:s22] =	ssyncset.done $0x0  }
0xa1: {  	[sflag:s22] =	ssyncadd.s32 s5;
	_ =	sdelay $0x1  }
0xa2: {  	s23 =	simm.s32 $0x1B8B  }
0xa3: {  	_ =	swait.ge [sflag:s23], $0x1  }
0xa4: {  	[sflag:s23] =	ssyncset.done $0x0  }
0xa5: {  	s25 =	simm.s32 $0x1B8E;
	s24 =	sld [smem:$0x3FFE];
	[sflag:s23] =	ssyncadd.s32 $0xFFFFFFFF  }
0xa6: {  	s26 =	simm.s32 $execute0_lowered;
	[smem:$0x3FD2] =	sst s25  }
0xa7: {  	s6 =	sshll.u32 s26, $0x1;
	_ =	strace $0x80000046;
	[dreg:$0x1] =	wrdreg $0xFFFFFFFF  }
0xa8: {  	s28 =	simm.s32 $_size_execute0_lowered;
	s4 =	sadd.s32 s4, s6;
	[dreg:$0x0] =	wrdreg $0x0  }
0xa9: {  	s6 =	sshll.u32 s28, $0x1;
	[dreg:$0x2] =	wrdreg s4  }
0xaa: {  	[dreg:$0x3] =	wrdreg s6  }
0xab: {  	[dreg:$0x4] =	wrdreg $0xC0  }
0xac: {  	_ =	task [dreg:s8], $0x5FFFF  }
0xad: {  	[dreg:$0x1] =	wrdreg $0xFFFFFFFF  }
0xae: {  	[dreg:$0x0] =	wrdreg $0x60  }
0xaf: {  	[dreg:$0x2] =	wrdreg s2  }
0xb0: {  	[dreg:$0x3] =	wrdreg s18  }
0xb1: {  	[dreg:$0x4] =	wrdreg s24  }
0xb2: {  	[dreg:$0x5] =	wrdreg $0x9  }
0xb3: {  	_ =	task.clear_ibuf [dreg:s8], $0x6FFFF;
	_ =	strace $0x90000046  }
0xb4: {  	s29 =	simm.s32 $0x9;
	_ =	strace $0x80000048  }
0xb5: {  	_ =	swait.ge [sflag:s29], $0x1  }
0xb6: {  	[sflag:s29] =	ssyncadd.s32 $0xFFFFFFFF  }
0xb7: {  	_ =	strace $0x90000048  }
0xb8: {  	_ =	sfence  }
0xb9: {  	s30 =	sld [smem:$0x0];
	_ =	sdelay $0x2  }
0xba: {  	s31 =	sshll.u32 s1, $0xD;
	s1 =	sshrl.u32 s1, $0x2  }
0xbb: {  	s3 =	sand.u32 $0x4000, s31;
	s1 =	sadd.s32 s1, s30  }
0xbc: {  	s0 =	sor.u32 s3, s0;
	s1 =	sshll.u32 s1, $0x11  }
0xbd: {  	s0 =	sor.u32 s1, s0  }
0xbe: {  	s0 =	sadd.s32 $0x8F2B, s0  }
0xbf: {  	[sflag:s0] =	ssyncadd.remote.s32 $0x1  }
0xc0: {  	_ =	sfence.sel $0xFFFF  }
0xc1: {  	[dreg:$0x0] =	wrdreg $0xFFFFFFFF;
	(pc) =	sbr.abs _section_cstart, $3  }
0xc2: {  	[dreg:$0x1] =	wrdreg $0xFFFFFFFF  }
0xc3: {  	_ =	task.clear_ibuf [dreg:s8], $0x2FFFF;
	_ =	strace $0x9FFFFFFF  }
0xc4: {  	(tm) =	ssettm $0x7FFFFFFF  }
0xc5: {  	_ =	shalt  }
tec
execute0_lowered:
.L_overlay_start_1:
0x0: {  	(tag) =	ssettag $0x1  }
0x1: {  	s0 =	rddreg [dreg:$0x0]  }
0x2: {  	s1 =	srdreg.scid;
	s4 =	rddreg [dreg:$0x1]  }
0x3: {  	s2 =	stileid.u32;
	s6 =	rddreg [dreg:$0x2];
	s25 =	simm.s32 $0x10000  }
0x4: {  	s26 =	simm.s32 $0x10080;
	s16 =	simm.s32 $0x1;
	s19 =	simm.s32 $0x1800  }
0x5: {  	s20 =	simm.s32 $0x2000;
	s21 =	simm.s32 $0x2800;
	s28 =	simm.s32 $0x5800  }
0x6: {  	s29 =	simm.s32 $0x6000;
	s30 =	simm.s32 $0x6800;
	s31 =	simm.s32 $0x7000  }
0x7: {  	s9 =	simm.s32 $0x8800;
	s10 =	simm.s32 $0x9000;
	s11 =	simm.s32 $0x9800  }
0x8: {  	s12 =	simm.s32 $0xA000;
	s13 =	simm.s32 $0xA800;
	s14 =	simm.s32 $0xB000  }
0x9: {  	s1 =	sand.u32 $0x1, s1;
	s3 =	sshll.u32 s2, $0x7;
	s2 =	simm.s32 $0x0  }
0xa: {  	s15 =	simm.s32 $0xB800;
	s5 =	sshll.u32 s1, $0x6;
	[smem:$0x7FF] =	sst s2  }
0xb: {  	s1 =	ssub.s32 $0x2, s1;
	_ =	strace $0x80000047;
	[dreg:$0x7] =	wrdreg s25  }
0xc: {  	s3 =	sor.u32 s5, s3;
	s22 =	sshrl.u32 s1, $0x1;
	[dreg:$0x8] =	wrdreg s26  }
0xd: {  	s25 =	simm.s32 $0x4800;
	s26 =	simm.s32 $0x5000;
	s5 =	sshrl.u32 s3, $0x3  }
0xe: {  	s8 =	sshll.u32 s3, $0x7;
	s3 =	sadd.s32 $0x9000, s6;
	s1 =	ssub.s32 s1, s22  }
0xf: {  	s22 =	simm.s32 $0x3000;
	s7 =	sadd.s32 s5, s6;
	s0 =	sadd.s32 s0, s8  }
0x10: {  	s23 =	sadd.s32 s4, s5;
	s4 =	sadd.s32 $0x9100, s6;
	s5 =	sadd.s32 $0x9200, s6  }
0x11: {  	v2 =	vlaneseq.u32;
	s6 =	sadd.s32 $0x9300, s6;
	s8 =	simm.s32 $0x2;
	[dreg:$0x4] =	wrdreg s0  }
0x12: {  	vm0 =	vmmov $0xffff;
	v1 =	vshrl.u32 v2, $0x3;
	[dreg:$0x5] =	wrdreg s23;
	s24 =	sadd.s32 $0x8E00, s7;
	s7 =	smax.u32 s1, $0x1  }
0x13: {  	v0 =	vand.u32 $0x7, v2;
	v2 =	vor.u32 $0x8, v2;
	v1 =	vmul.u32 $0x8, v1;
	s23 =	simm.s32 $0x3800;
	[dreg:$0x6] =	wrdreg s24;
	s24 =	simm.s32 $0x4000  }
.LBB2_1:
0x14: {  	s17 =	rddreg [dreg:$0x4]  }
0x15: {  	[tilespmem:s2], [sflag:$0x2] =	stream.linear.gather [hbm4b:s17+s2], $0x10000, $0x38;
	[tilespmem:$0x10100] =	vst v63  }
0x16: {  	_ =	swait.ge [sflag:s8], $0x10000  }
0x17: {  	s1 =	rddreg [dreg:$0x5];
	[sflag:s8] =	ssyncset.done $0x0  }
0x18: {  	s18 =	rddreg [dreg:$0x7];
	[sflag:s8] =	ssyncadd.s32 $0xFFFF0000  }
0x19: {  	[tilespmem:s18], [sflag:$0x2] =	stream.linear.gather [hbm4b:s1+s2], $0x40, $0x38;
	[tilespmem:$0x10100] =	vst v63  }
0x1a: {  	_ =	swait.ge [sflag:s8], $0x40  }
0x1b: {  	s0 =	rddreg [dreg:$0x6];
	[sflag:s8] =	ssyncset.done $0x0  }
0x1c: {  	s1 =	rddreg [dreg:$0x8];
	[sflag:s8] =	ssyncadd.s32 $0xFFFFFFC0  }
0x1d: {  	[tilespmem:s1], [sflag:$0x2] =	stream.linear.gather [hbm4b:s0+s2], $0x40, $0x38;
	[tilespmem:$0x10100] =	vst v63  }
0x1e: {  	_ =	swait.ge [sflag:s8], $0x40  }
0x1f: {  	[sflag:s8] =	ssyncset.done $0x0  }
0x20: {  	[sflag:s8] =	ssyncadd.s32 $0xFFFFFFC0  }
0x21: {  	v3 =	vld [tilespmem:$0x10000];
	_ =	sdelay $0x4  }
0x22: {  	v4 =	vshll.u32 v3, $0x3  }
0x23: {  	v3 =	vand.u32 $0x7, v3;
	v4 =	vand.u32 $0xFFFFFFC0, v4  }
0x24: {  	v3 =	vor.u32 v3, v4  }
0x25: {  	v4 =	vperm.xlane v3, v0;
	_ =	sdelay $0x1  }
0x26: {  	v4 =	vadd.s32 v1, v4;
	_ =	sdelay $0x4  }
0x27: {  	[hbm4b:s3+s2] =	stream.indirect_vreg.scatter [tilespmem:s2], [sflag:$0x1], $0x80, v4, vm0, $0xb8;
	[tilespmem:$0x10100] =	vst v63  }
0x28: {  	s17 =	simm.s32 $0x800;
	v3 =	vperm.xlane v3, v2  }
0x29: {  	[hbm4b:s4+s2] =	stream.indirect_vreg.scatter [tilespmem:s17], [sflag:$0x1], $0x80, v4, vm0, $0xb8;
	[tilespmem:$0x10100] =	vst v63  }
0x2a: {  	s18 =	simm.s32 $0x1000;
	v3 =	vadd.s32 v1, v3  }
0x2b: {  	[hbm4b:s5+s2] =	stream.indirect_vreg.scatter [tilespmem:s18], [sflag:$0x1], $0x80, v4, vm0, $0xb8;
	[tilespmem:$0x10100] =	vst v63  }
0x2c: {  	_ = 	snop  }
0x2d: {  	[hbm4b:s6+s2] =	stream.indirect_vreg.scatter [tilespmem:s19], [sflag:$0x1], $0x80, v4, vm0, $0xb8;
	[tilespmem:$0x10100] =	vst v63  }
0x2e: {  	_ = 	snop  }
0x2f: {  	[hbm4b:s3+s2] =	stream.indirect_vreg.scatter [tilespmem:s20], [sflag:$0x1], $0x80, v3, vm0, $0xb8;
	[tilespmem:$0x10100] =	vst v63  }
0x30: {  	_ = 	snop  }
0x31: {  	[hbm4b:s4+s2] =	stream.indirect_vreg.scatter [tilespmem:s21], [sflag:$0x1], $0x80, v3, vm0, $0xb8;
	[tilespmem:$0x10100] =	vst v63  }
0x32: {  	_ = 	snop  }
0x33: {  	[hbm4b:s5+s2] =	stream.indirect_vreg.scatter [tilespmem:s22], [sflag:$0x1], $0x80, v3, vm0, $0xb8;
	[tilespmem:$0x10100] =	vst v63  }
0x34: {  	_ = 	snop  }
0x35: {  	[hbm4b:s6+s2] =	stream.indirect_vreg.scatter [tilespmem:s23], [sflag:$0x1], $0x80, v3, vm0, $0xb8;
	[tilespmem:$0x10100] =	vst v63  }
0x36: {  	v3 =	vld [tilespmem:$0x10010];
	_ =	sdelay $0x4  }
0x37: {  	v57 =	vshll.u32 v3, $0x3  }
0x38: {  	v3 =	vand.u32 $0x7, v3;
	v4 =	vand.u32 $0xFFFFFFC0, v57  }
0x39: {  	v3 =	vor.u32 v3, v4  }
0x3a: {  	v4 =	vperm.xlane v3, v0;
	_ =	sdelay $0x1  }
0x3b: {  	v4 =	vadd.s32 v1, v4;
	_ =	sdelay $0x4  }
0x3c: {  	[hbm4b:s3+s2] =	stream.indirect_vreg.scatter [tilespmem:s24], [sflag:$0x1], $0x80, v4, vm0, $0xb8;
	[tilespmem:$0x10100] =	vst v63  }
0x3d: {  	v3 =	vperm.xlane v3, v2  }
0x3e: {  	[hbm4b:s4+s2] =	stream.indirect_vreg.scatter [tilespmem:s25], [sflag:$0x1], $0x80, v4, vm0, $0xb8;
	[tilespmem:$0x10100] =	vst v63  }
0x3f: {  	v3 =	vadd.s32 v1, v3  }
0x40: {  	[hbm4b:s5+s2] =	stream.indirect_vreg.scatter [tilespmem:s26], [sflag:$0x1], $0x80, v4, vm0, $0xb8;
	[tilespmem:$0x10100] =	vst v63  }
0x41: {  	_ = 	snop  }
0x42: {  	[hbm4b:s6+s2] =	stream.indirect_vreg.scatter [tilespmem:s28], [sflag:$0x1], $0x80, v4, vm0, $0xb8;
	[tilespmem:$0x10100] =	vst v63  }
0x43: {  	_ = 	snop  }
0x44: {  	[hbm4b:s3+s2] =	stream.indirect_vreg.scatter [tilespmem:s29], [sflag:$0x1], $0x80, v3, vm0, $0xb8;
	[tilespmem:$0x10100] =	vst v63  }
0x45: {  	_ = 	snop  }
0x46: {  	[hbm4b:s4+s2] =	stream.indirect_vreg.scatter [tilespmem:s30], [sflag:$0x1], $0x80, v3, vm0, $0xb8;
	[tilespmem:$0x10100] =	vst v63  }
0x47: {  	_ = 	snop  }
0x48: {  	[hbm4b:s5+s2] =	stream.indirect_vreg.scatter [tilespmem:s31], [sflag:$0x1], $0x80, v3, vm0, $0xb8;
	[tilespmem:$0x10100] =	vst v63  }
0x49: {  	s1 =	simm.s32 $0x7800  }
0x4a: {  	[hbm4b:s6+s2] =	stream.indirect_vreg.scatter [tilespmem:s1], [sflag:$0x1], $0x80, v3, vm0, $0xb8;
	[tilespmem:$0x10100] =	vst v63  }
0x4b: {  	v3 =	vld [tilespmem:$0x10020];
	_ =	sdelay $0x4  }
0x4c: {  	v58 =	vshll.u32 v3, $0x3  }
0x4d: {  	v3 =	vand.u32 $0x7, v3;
	v4 =	vand.u32 $0xFFFFFFC0, v58  }
0x4e: {  	v3 =	vor.u32 v3, v4  }
0x4f: {  	v4 =	vperm.xlane v3, v0;
	_ =	sdelay $0x1  }
0x50: {  	v4 =	vadd.s32 v1, v4;
	_ =	sdelay $0x3  }
0x51: {  	s0 =	simm.s32 $0x8000  }
0x52: {  	[hbm4b:s3+s2] =	stream.indirect_vreg.scatter [tilespmem:s0], [sflag:$0x1], $0x80, v4, vm0, $0xb8;
	[tilespmem:$0x10100] =	vst v63  }
0x53: {  	v3 =	vperm.xlane v3, v2  }
0x54: {  	[hbm4b:s4+s2] =	stream.indirect_vreg.scatter [tilespmem:s9], [sflag:$0x1], $0x80, v4, vm0, $0xb8;
	[tilespmem:$0x10100] =	vst v63  }
0x55: {  	v3 =	vadd.s32 v1, v3  }
0x56: {  	[hbm4b:s5+s2] =	stream.indirect_vreg.scatter [tilespmem:s10], [sflag:$0x1], $0x80, v4, vm0, $0xb8;
	[tilespmem:$0x10100] =	vst v63  }
0x57: {  	_ = 	snop  }
0x58: {  	[hbm4b:s6+s2] =	stream.indirect_vreg.scatter [tilespmem:s11], [sflag:$0x1], $0x80, v4, vm0, $0xb8;
	[tilespmem:$0x10100] =	vst v63  }
0x59: {  	_ = 	snop  }
0x5a: {  	[hbm4b:s3+s2] =	stream.indirect_vreg.scatter [tilespmem:s12], [sflag:$0x1], $0x80, v3, vm0, $0xb8;
	[tilespmem:$0x10100] =	vst v63  }
0x5b: {  	_ = 	snop  }
0x5c: {  	[hbm4b:s4+s2] =	stream.indirect_vreg.scatter [tilespmem:s13], [sflag:$0x1], $0x80, v3, vm0, $0xb8;
	[tilespmem:$0x10100] =	vst v63  }
0x5d: {  	_ = 	snop  }
0x5e: {  	[hbm4b:s5+s2] =	stream.indirect_vreg.scatter [tilespmem:s14], [sflag:$0x1], $0x80, v3, vm0, $0xb8;
	[tilespmem:$0x10100] =	vst v63  }
0x5f: {  	_ = 	snop  }
0x60: {  	[hbm4b:s6+s2] =	stream.indirect_vreg.scatter [tilespmem:s15], [sflag:$0x1], $0x80, v3, vm0, $0xb8;
	[tilespmem:$0x10100] =	vst v63  }
0x61: {  	v3 =	vld [tilespmem:$0x10030];
	_ =	sdelay $0x4  }
0x62: {  	v59 =	vshll.u32 v3, $0x3  }
0x63: {  	v3 =	vand.u32 $0x7, v3;
	v4 =	vand.u32 $0xFFFFFFC0, v59  }
0x64: {  	v3 =	vor.u32 v3, v4  }
0x65: {  	v4 =	vperm.xlane v3, v0;
	_ =	sdelay $0x1  }
0x66: {  	v4 =	vadd.s32 v1, v4;
	_ =	sdelay $0x3  }
0x67: {  	s0 =	simm.s32 $0xC000  }
0x68: {  	[hbm4b:s3+s2] =	stream.indirect_vreg.scatter [tilespmem:s0], [sflag:$0x1], $0x80, v4, vm0, $0xb8;
	[tilespmem:$0x10100] =	vst v63  }
0x69: {  	v3 =	vperm.xlane v3, v2;
	s0 =	simm.s32 $0xC800  }
0x6a: {  	[hbm4b:s4+s2] =	stream.indirect_vreg.scatter [tilespmem:s0], [sflag:$0x1], $0x80, v4, vm0, $0xb8;
	[tilespmem:$0x10100] =	vst v63  }
0x6b: {  	v3 =	vadd.s32 v1, v3;
	s0 =	simm.s32 $0xD000  }
0x6c: {  	[hbm4b:s5+s2] =	stream.indirect_vreg.scatter [tilespmem:s0], [sflag:$0x1], $0x80, v4, vm0, $0xb8;
	[tilespmem:$0x10100] =	vst v63  }
0x6d: {  	s0 =	simm.s32 $0xD800  }
0x6e: {  	[hbm4b:s6+s2] =	stream.indirect_vreg.scatter [tilespmem:s0], [sflag:$0x1], $0x80, v4, vm0, $0xb8;
	[tilespmem:$0x10100] =	vst v63  }
0x6f: {  	s0 =	simm.s32 $0xE000  }
0x70: {  	[hbm4b:s3+s2] =	stream.indirect_vreg.scatter [tilespmem:s0], [sflag:$0x1], $0x80, v3, vm0, $0xb8;
	[tilespmem:$0x10100] =	vst v63  }
0x71: {  	s0 =	simm.s32 $0xE800  }
0x72: {  	[hbm4b:s4+s2] =	stream.indirect_vreg.scatter [tilespmem:s0], [sflag:$0x1], $0x80, v3, vm0, $0xb8;
	[tilespmem:$0x10100] =	vst v63  }
0x73: {  	s0 =	simm.s32 $0xF000  }
0x74: {  	[hbm4b:s5+s2] =	stream.indirect_vreg.scatter [tilespmem:s0], [sflag:$0x1], $0x80, v3, vm0, $0xb8;
	[tilespmem:$0x10100] =	vst v63  }
0x75: {  	s0 =	simm.s32 $0xF800  }
0x76: {  	[hbm4b:s6+s2] =	stream.indirect_vreg.scatter [tilespmem:s0], [sflag:$0x1], $0x80, v3, vm0, $0xb8;
	[tilespmem:$0x10100] =	vst v63  }
0x77: {  	_ =	swait.ge [sflag:s16], $0x10000  }
0x78: {  	[sflag:s16] =	ssyncset.done $0x0  }
0x79: {  	[sflag:s16] =	ssyncadd.s32 $0xFFFF0000  }
0x7a: {  	v3 =	vld [tilespmem:$0x10080];
	_ =	sdelay $0x4  }
0x7b: {  	v60 =	vshll.u32 v3, $0x3  }
0x7c: {  	v3 =	vand.u32 $0x7, v3;
	v4 =	vand.u32 $0xFFFFFFC0, v60  }
0x7d: {  	v3 =	vor.u32 v3, v4  }
0x7e: {  	v4 =	vperm.xlane v3, v0;
	_ =	sdelay $0x1  }
0x7f: {  	v4 =	vadd.s32 v1, v4;
	_ =	sdelay $0x4  }
0x80: {  	[hbm4b:s3+s2] =	stream.indirect_vreg.scatter [tilespmem:s2], [sflag:$0x1], $0x80, v4, vm0, $0xb8;
	[tilespmem:$0x10100] =	vst v63  }
0x81: {  	v3 =	vperm.xlane v3, v2  }
0x82: {  	[hbm4b:s4+s2] =	stream.indirect_vreg.scatter [tilespmem:s17], [sflag:$0x1], $0x80, v4, vm0, $0xb8;
	[tilespmem:$0x10100] =	vst v63  }
0x83: {  	v3 =	vadd.s32 v1, v3  }
0x84: {  	[hbm4b:s5+s2] =	stream.indirect_vreg.scatter [tilespmem:s18], [sflag:$0x1], $0x80, v4, vm0, $0xb8;
	[tilespmem:$0x10100] =	vst v63  }
0x85: {  	_ = 	snop  }
0x86: {  	[hbm4b:s6+s2] =	stream.indirect_vreg.scatter [tilespmem:s19], [sflag:$0x1], $0x80, v4, vm0, $0xb8;
	[tilespmem:$0x10100] =	vst v63  }
0x87: {  	_ = 	snop  }
0x88: {  	[hbm4b:s3+s2] =	stream.indirect_vreg.scatter [tilespmem:s20], [sflag:$0x1], $0x80, v3, vm0, $0xb8;
	[tilespmem:$0x10100] =	vst v63  }
0x89: {  	_ = 	snop  }
0x8a: {  	[hbm4b:s4+s2] =	stream.indirect_vreg.scatter [tilespmem:s21], [sflag:$0x1], $0x80, v3, vm0, $0xb8;
	[tilespmem:$0x10100] =	vst v63  }
0x8b: {  	_ = 	snop  }
0x8c: {  	[hbm4b:s5+s2] =	stream.indirect_vreg.scatter [tilespmem:s22], [sflag:$0x1], $0x80, v3, vm0, $0xb8;
	[tilespmem:$0x10100] =	vst v63  }
0x8d: {  	_ = 	snop  }
0x8e: {  	[hbm4b:s6+s2] =	stream.indirect_vreg.scatter [tilespmem:s23], [sflag:$0x1], $0x80, v3, vm0, $0xb8;
	[tilespmem:$0x10100] =	vst v63  }
0x8f: {  	v3 =	vld [tilespmem:$0x10090];
	_ =	sdelay $0x4  }
0x90: {  	v61 =	vshll.u32 v3, $0x3  }
0x91: {  	v3 =	vand.u32 $0x7, v3;
	v4 =	vand.u32 $0xFFFFFFC0, v61  }
0x92: {  	v3 =	vor.u32 v3, v4  }
0x93: {  	v4 =	vperm.xlane v3, v0;
	_ =	sdelay $0x1  }
0x94: {  	v4 =	vadd.s32 v1, v4;
	_ =	sdelay $0x4  }
0x95: {  	[hbm4b:s3+s2] =	stream.indirect_vreg.scatter [tilespmem:s24], [sflag:$0x1], $0x80, v4, vm0, $0xb8;
	[tilespmem:$0x10100] =	vst v63  }
0x96: {  	v3 =	vperm.xlane v3, v2  }
0x97: {  	[hbm4b:s4+s2] =	stream.indirect_vreg.scatter [tilespmem:s25], [sflag:$0x1], $0x80, v4, vm0, $0xb8;
	[tilespmem:$0x10100] =	vst v63  }
0x98: {  	v3 =	vadd.s32 v1, v3  }
0x99: {  	[hbm4b:s5+s2] =	stream.indirect_vreg.scatter [tilespmem:s26], [sflag:$0x1], $0x80, v4, vm0, $0xb8;
	[tilespmem:$0x10100] =	vst v63  }
0x9a: {  	_ = 	snop  }
0x9b: {  	[hbm4b:s6+s2] =	stream.indirect_vreg.scatter [tilespmem:s28], [sflag:$0x1], $0x80, v4, vm0, $0xb8;
	[tilespmem:$0x10100] =	vst v63  }
0x9c: {  	_ = 	snop  }
0x9d: {  	[hbm4b:s3+s2] =	stream.indirect_vreg.scatter [tilespmem:s29], [sflag:$0x1], $0x80, v3, vm0, $0xb8;
	[tilespmem:$0x10100] =	vst v63  }
0x9e: {  	_ = 	snop  }
0x9f: {  	[hbm4b:s4+s2] =	stream.indirect_vreg.scatter [tilespmem:s30], [sflag:$0x1], $0x80, v3, vm0, $0xb8;
	[tilespmem:$0x10100] =	vst v63  }
0xa0: {  	_ = 	snop  }
0xa1: {  	[hbm4b:s5+s2] =	stream.indirect_vreg.scatter [tilespmem:s31], [sflag:$0x1], $0x80, v3, vm0, $0xb8;
	[tilespmem:$0x10100] =	vst v63  }
0xa2: {  	_ = 	snop  }
0xa3: {  	[hbm4b:s6+s2] =	stream.indirect_vreg.scatter [tilespmem:s1], [sflag:$0x1], $0x80, v3, vm0, $0xb8;
	[tilespmem:$0x10100] =	vst v63  }
0xa4: {  	v3 =	vld [tilespmem:$0x100A0];
	_ =	sdelay $0x4  }
0xa5: {  	v62 =	vshll.u32 v3, $0x3  }
0xa6: {  	v3 =	vand.u32 $0x7, v3;
	v4 =	vand.u32 $0xFFFFFFC0, v62  }
0xa7: {  	v3 =	vor.u32 v3, v4  }
0xa8: {  	v4 =	vperm.xlane v3, v0;
	_ =	sdelay $0x1  }
0xa9: {  	v4 =	vadd.s32 v1, v4;
	_ =	sdelay $0x3  }
0xaa: {  	s17 =	simm.s32 $0x8000  }
0xab: {  	[hbm4b:s3+s2] =	stream.indirect_vreg.scatter [tilespmem:s17], [sflag:$0x1], $0x80, v4, vm0, $0xb8;
	[tilespmem:$0x10100] =	vst v63  }
0xac: {  	v3 =	vperm.xlane v3, v2  }
0xad: {  	[hbm4b:s4+s2] =	stream.indirect_vreg.scatter [tilespmem:s9], [sflag:$0x1], $0x80, v4, vm0, $0xb8;
	[tilespmem:$0x10100] =	vst v63  }
0xae: {  	v3 =	vadd.s32 v1, v3  }
0xaf: {  	[hbm4b:s5+s2] =	stream.indirect_vreg.scatter [tilespmem:s10], [sflag:$0x1], $0x80, v4, vm0, $0xb8;
	[tilespmem:$0x10100] =	vst v63  }
0xb0: {  	_ = 	snop  }
0xb1: {  	[hbm4b:s6+s2] =	stream.indirect_vreg.scatter [tilespmem:s11], [sflag:$0x1], $0x80, v4, vm0, $0xb8;
	[tilespmem:$0x10100] =	vst v63  }
0xb2: {  	_ = 	snop  }
0xb3: {  	[hbm4b:s3+s2] =	stream.indirect_vreg.scatter [tilespmem:s12], [sflag:$0x1], $0x80, v3, vm0, $0xb8;
	[tilespmem:$0x10100] =	vst v63  }
0xb4: {  	_ = 	snop  }
0xb5: {  	[hbm4b:s4+s2] =	stream.indirect_vreg.scatter [tilespmem:s13], [sflag:$0x1], $0x80, v3, vm0, $0xb8;
	[tilespmem:$0x10100] =	vst v63  }
0xb6: {  	_ = 	snop  }
0xb7: {  	[hbm4b:s5+s2] =	stream.indirect_vreg.scatter [tilespmem:s14], [sflag:$0x1], $0x80, v3, vm0, $0xb8;
	[tilespmem:$0x10100] =	vst v63  }
0xb8: {  	_ = 	snop  }
0xb9: {  	[hbm4b:s6+s2] =	stream.indirect_vreg.scatter [tilespmem:s15], [sflag:$0x1], $0x80, v3, vm0, $0xb8;
	[tilespmem:$0x10100] =	vst v63  }
0xba: {  	v3 =	vld [tilespmem:$0x100B0];
	_ =	sdelay $0x4  }
0xbb: {  	v63 =	vshll.u32 v3, $0x3  }
0xbc: {  	v3 =	vand.u32 $0x7, v3;
	v4 =	vand.u32 $0xFFFFFFC0, v63  }
0xbd: {  	v3 =	vor.u32 v3, v4  }
0xbe: {  	v4 =	vperm.xlane v3, v0;
	_ =	sdelay $0x1  }
0xbf: {  	v4 =	vadd.s32 v1, v4;
	_ =	sdelay $0x3  }
0xc0: {  	s18 =	simm.s32 $0xC000  }
0xc1: {  	[hbm4b:s3+s2] =	stream.indirect_vreg.scatter [tilespmem:s18], [sflag:$0x1], $0x80, v4, vm0, $0xb8;
	[tilespmem:$0x10100] =	vst v63  }
0xc2: {  	s17 =	simm.s32 $0xC800;
	v3 =	vperm.xlane v3, v2  }
0xc3: {  	[hbm4b:s4+s2] =	stream.indirect_vreg.scatter [tilespmem:s17], [sflag:$0x1], $0x80, v4, vm0, $0xb8;
	[tilespmem:$0x10100] =	vst v63  }
0xc4: {  	v3 =	vadd.s32 v1, v3;
	s18 =	simm.s32 $0xD000  }
0xc5: {  	[hbm4b:s5+s2] =	stream.indirect_vreg.scatter [tilespmem:s18], [sflag:$0x1], $0x80, v4, vm0, $0xb8;
	[tilespmem:$0x10100] =	vst v63  }
0xc6: {  	s17 =	simm.s32 $0xD800  }
0xc7: {  	[hbm4b:s6+s2] =	stream.indirect_vreg.scatter [tilespmem:s17], [sflag:$0x1], $0x80, v4, vm0, $0xb8;
	[tilespmem:$0x10100] =	vst v63  }
0xc8: {  	s18 =	simm.s32 $0xE000  }
0xc9: {  	[hbm4b:s3+s2] =	stream.indirect_vreg.scatter [tilespmem:s18], [sflag:$0x1], $0x80, v3, vm0, $0xb8;
	[tilespmem:$0x10100] =	vst v63  }
0xca: {  	s17 =	simm.s32 $0xE800  }
0xcb: {  	[hbm4b:s4+s2] =	stream.indirect_vreg.scatter [tilespmem:s17], [sflag:$0x1], $0x80, v3, vm0, $0xb8;
	[tilespmem:$0x10100] =	vst v63  }
0xcc: {  	p0 =	sne.s32 s7, $0x1;
	s18 =	simm.s32 $0xF000  }
0xcd: {  	[hbm4b:s5+s2] =	stream.indirect_vreg.scatter [tilespmem:s18], [sflag:$0x1], $0x80, v3, vm0, $0xb8;
	[tilespmem:$0x10100] =	vst v63  }
.Ltmp0:
0xce: {  	_ = 	snop;
	(pc) =	sbr.rel @p0 .LBB2_1-.Ltmp0, $4  }
0xcf: {  	[hbm4b:s6+s2] =	stream.indirect_vreg.scatter [tilespmem:s0], [sflag:$0x1], $0x80, v3, vm0, $0xb8;
	[tilespmem:$0x10100] =	vst v63  }
0xd0: {  	_ =	swait.ge [sflag:s16], $0x10000  }
0xd1: {  	[sflag:s16] =	ssyncset.done $0x0  }
0xd2: {  	s7 =	sadd.s32 $0xFFFFFFFF, s7;
	[sflag:s16] =	ssyncadd.s32 $0xFFFF0000  }
0xd3: {  	_ =	sfence.sel $0x180000  }
0xd4: {  	[bflag:$0x0] =	sbarrier.arrive $0xFFFF  }
0xd5: {  	_ =	strace $0x90000047  }
0xd6: {  	s0 =	stileid.u32;
	[bflag:$0x2] =	sbarrier.arrive $0xFFFF  }
0xd7: {  	p0 =	sne.s32 s0, $0x0;
	s0 =	rddreg [dreg:$0x3]  }
0xd8: {  	s0 =	sadd.s32 @!p0 $0x100000, s0  }
0xd9: {  	[sflag:s0] =	ssyncadd.tile.s32 @!p0 $0x1;
	_ =	shalt  }
.Lfunc_end2:
_tile_overlayer_lowered:
.L_overlay_start_2:
0xda: {  	(tag) =	ssettag $0x2  }
0xdb: {  	s0 =	rddreg [dreg:$0x0];
	s2 =	stileid.u32  }
0xdc: {  	s1 =	rddreg [dreg:$0x1];
	p0 =	sne.s32 s2, $0x0  }
0xdd: {  	s3 =	rddreg [dreg:$0x2];
	[bflag:$0x3] =	sbarrier.arrive $0xFFFF;
	s2 =	simm.s32 @!p0 $0x1C02  }
0xde: {  	[timem:s3], [sflag:s2] =	dma.local @!p0 [hbm:s0], s1  }
0xdf: {  	s0 =	simm.s32 @!p0 $0x2  }
0xe0: {  	_ =	swait.ge @!p0 [sflag:s0], s1  }
0xe1: {  	s1 =	ssub.s32 @!p0 $0x0, s1;
	[sflag:s0] =	ssyncset.done @!p0 $0x0  }
0xe2: {  	[sflag:s0] =	ssyncadd.s32 @!p0 s1  }
0xe3: {  	[bflag:$0x3] =	sbarrier.arrive $0xFFFF  }
0xe4: {  	_ =	shalt  }

</sc_bundles>
